<compile_context>
chip_gen: v7x
topology: tpu7x:2x2x1
jax: 0.10.2.dev20260603
libtpu: 0.0.44.dev20260713+nightly
codegen_flags: <defaults>
</compile_context>

<pallas_src>
import functools
import math

import jax
import jax.numpy as jnp
from jax import lax
from jax.experimental import pallas as pl
from jax.experimental.pallas import tpu as pltpu
from jax.experimental.pallas import tpu_sc as plsc

_B, _L, _OMEGA = 4096, 200, 64
_VOCAB = 256
_MAX_SEQ_LEN = 512
_D = 2 * _OMEGA
_T = _B * _L

_LBLK = 100


def _expand_body(tab_ref, w_ref, b_ref, out_ref):
    t = tab_ref[...]
    z = lax.dot_general(t, w_ref[...], (((1,), (1,)), ((), ())),
                        preferred_element_type=jnp.float32)
    g = t * jax.nn.sigmoid(z + b_ref[...])
    i = pl.program_id(0)
    alpha = 2.0 * math.pi / _MAX_SEQ_LEN
    pos = i * _LBLK + lax.broadcasted_iota(jnp.int32, (_LBLK, 1, 1), 0)
    phi = alpha * pos.astype(jnp.float32)
    out_ref[:, :, 0:_OMEGA] = g[None, :, :] * jnp.cos(phi)
    out_ref[:, :, _OMEGA:_D] = g[None, :, :] * jnp.sin(phi)


def _expand(table, W_gate, b_gate):
    return pl.pallas_call(
        _expand_body,
        grid=(_L // _LBLK,),
        in_specs=[
            pl.BlockSpec((_VOCAB, _OMEGA), lambda i: (0, 0)),
            pl.BlockSpec((_OMEGA, _OMEGA), lambda i: (0, 0)),
            pl.BlockSpec((1, _OMEGA), lambda i: (0, 0)),
        ],
        out_specs=pl.BlockSpec((_LBLK, _VOCAB, _D), lambda i: (i, 0, 0)),
        out_shape=jax.ShapeDtypeStruct((_L, _VOCAB, _D), jnp.float32),
    )(table, W_gate, b_gate.reshape(1, _OMEGA))


_NC, _NS = 2, 16
_NW = _NC * _NS
_TPW = _T // _NW
_H = 128
_NU = _TPW // _H
_NB = 4


@functools.cache
def _build_lookup():
    mesh = plsc.VectorSubcoreMesh(core_axis_name="c", subcore_axis_name="s")
    return functools.partial(
        pl.kernel,
        mesh=mesh,
        out_type=jax.ShapeDtypeStruct((_T, _D), jnp.float32),
        scratch_types=[
            pltpu.VMEM((_TPW,), jnp.int32),
            pltpu.VMEM((_NB, _H, _D), jnp.float32),
            pltpu.SemaphoreType.DMA,
            pltpu.SemaphoreType.DMA,
            pltpu.SemaphoreType.DMA,
            pltpu.SemaphoreType.DMA,
            pltpu.SemaphoreType.DMA,
            pltpu.SemaphoreType.DMA,
            pltpu.SemaphoreType.DMA,
            pltpu.SemaphoreType.DMA,
        ],
    )(_lookup_body)


def _lookup_body(x_hbm, g_hbm, out_hbm, xi, rb,
                 sg0, sg1, sg2, sg3, ss0, ss1, ss2, ss3):
    sg = (sg0, sg1, sg2, sg3)
    ss = (ss0, ss1, ss2, ss3)
    wid = lax.axis_index("s") * _NC + lax.axis_index("c")
    base = wid * _TPW

    pltpu.sync_copy(x_hbm.at[pl.ds(base, _TPW)], xi)

    def idx_body(j, carry):
        o16 = j * 16
        tvec = base + o16 + lax.iota(jnp.int32, 16)
        xi[pl.ds(o16, 16)] = xi[pl.ds(o16, 16)] + (tvec % _L) * _VOCAB
        return carry

    lax.fori_loop(0, _TPW // 16, idx_body, 0)

    def fire_gather(i, s):
        pltpu.async_copy(g_hbm.at[xi.at[pl.ds(i * _H, _H)]], rb.at[s], sg[s])

    def wait_gather(i, s):
        pltpu.make_async_copy(g_hbm.at[xi.at[pl.ds(i * _H, _H)]],
                              rb.at[s], sg[s]).wait()

    def fire_scatter(i, s):
        pltpu.async_copy(rb.at[s], out_hbm.at[pl.ds(base + i * _H, _H)], ss[s])

    def wait_scatter(s):
        pltpu.make_async_copy(rb.at[s], out_hbm.at[pl.ds(base, _H)],
                              ss[s]).wait()

    for i in range(_NB - 1):
        fire_gather(i, i)

    def body(i4, carry):
        for b in range(_NB):
            i = i4 * _NB + b
            wait_gather(i, b)
            fire_scatter(i, b)
            nxt = i + _NB - 1
            s2 = (b + _NB - 1) % _NB

            @pl.when(nxt < _NU)
            def _():
                @pl.when(i >= 1)
                def _():
                    wait_scatter(s2)

                fire_gather(nxt, s2)

        return carry

    lax.fori_loop(0, _NU // _NB, body, 0)
    for s in range(_NB):
        wait_scatter(s)


def kernel(x, table, W_gate, b_gate):
    G = _expand(table, W_gate, b_gate).reshape(_L * _VOCAB, _D)
    out = _build_lookup()(x.reshape(_T), G)
    return out.reshape(_B, _L, _D)

# --- scband reference (transcript-rebuilt; emitter-appended) ---
"""Pipeline reference for scband-dsnembedding-36919538877124 (READ-ONLY COPY).

The authoritative reference and input builder live on the scoring server;
editing this copy changes nothing except your own understanding.
"""

import math
import jax, jax.numpy as jnp
import numpy as np

B, L, OMEGA = 4096, 200, 64
VOCAB = 256
MAX_SEQ_LEN = 512

def setup_inputs(seed: int = 0) -> dict:
    key = jax.random.key(seed)
    k1, k2, k3, k4 = jax.random.split(key, 4)
    x = jax.random.randint(k1, (B, L), 0, VOCAB, dtype=jnp.int32)
    table = jax.random.normal(k2, (VOCAB, OMEGA), dtype=jnp.float32)
    W_gate = jax.random.normal(k3, (OMEGA, OMEGA), dtype=jnp.float32) * (1.0 / math.sqrt(OMEGA))
    b_gate = jax.random.normal(k4, (OMEGA,), dtype=jnp.float32) * 0.01
    return {"x": x, "table": table, "W_gate": W_gate, "b_gate": b_gate}

def reference(x, table, W_gate, b_gate):
    # embedding lookup: (B, L) -> (B, L, OMEGA)
    amp = jnp.take(table, x, axis=0)
    # dynamic depth gating
    gate = jax.nn.sigmoid(jnp.einsum('blo,po->blp', amp, W_gate) + b_gate)
    amp = amp * gate
    # phi-rotary phase encoding
    alpha = 2.0 * math.pi / MAX_SEQ_LEN
    phi = (alpha * jnp.arange(L, dtype=jnp.float32)).reshape(1, L, 1)
    cos_phi = jnp.cos(phi)
    sin_phi = jnp.sin(phi)
    embed = jnp.concatenate([amp * cos_phi, amp * sin_phi], axis=-1)
    return embed

if __name__ == "__main__":
    import jax
    _d = setup_inputs()
    print(jax.jit(kernel)(*tuple(_d.values())))

</pallas_src>

<mosaic_0001>
#map = affine_map<(d0, d1) -> (0)>
#map1 = affine_map<(d0, d1) -> (0, 0)>
module attributes {stable_mosaic.version = 14 : i64} {
  func.func @_lookup_body(%arg0: i32, %arg1: i32, %arg2: memref<819200xi32, #tpu.memory_space<hbm>>, %arg3: memref<51200x128xf32, #tpu.memory_space<hbm>>, %arg4: memref<819200x128xf32, #tpu.memory_space<hbm>>, %arg5: memref<25600xi32, #tpu.memory_space<vmem>>, %arg6: memref<4x128x128xf32, #tpu.memory_space<vmem>>, %arg7: memref<!tpu.dma_semaphore, #tpu.memory_space<semaphore_mem>>, %arg8: memref<!tpu.dma_semaphore, #tpu.memory_space<semaphore_mem>>, %arg9: memref<!tpu.dma_semaphore, #tpu.memory_space<semaphore_mem>>, %arg10: memref<!tpu.dma_semaphore, #tpu.memory_space<semaphore_mem>>, %arg11: memref<!tpu.dma_semaphore, #tpu.memory_space<semaphore_mem>>, %arg12: memref<!tpu.dma_semaphore, #tpu.memory_space<semaphore_mem>>, %arg13: memref<!tpu.dma_semaphore, #tpu.memory_space<semaphore_mem>>, %arg14: memref<!tpu.dma_semaphore, #tpu.memory_space<semaphore_mem>>) attributes {dimension_semantics = [#tpu.dimension_semantics<core_parallel>, #tpu.dimension_semantics<subcore_parallel>], iteration_bounds = array<i64: 2, 16>, scalar_prefetch = 0 : i64, scratch_operands = 10 : i64, tpu.core_type = #tpu.core_type<sc_vector_subcore>, window_params = [{transform_indices = #map}, {transform_indices = #map1}, {transform_indices = #map1}]} {
    %mul3A = arith.constant 2 : i32
    %mul3A_0 = arith.muli %arg1, %mul3A : i32
    %add3A = arith.addi %mul3A_0, %arg0 : i32
    %mul3A_1 = arith.constant 25600 : i32
    %mul3A_2 = arith.muli %add3A, %mul3A_1 : i32
    "tpu.region"() ({
      %run_scoped3A = tpu.sem_alloc : memref<!tpu.dma_semaphore, #tpu.memory_space<semaphore_mem>>
      %dma_start3A_94 = tpu.memref_slice %arg2[%mul3A_2] : memref<819200xi32, #tpu.memory_space<hbm>> -> memref<25600xi32, #tpu.memory_space<hbm>>
      %dma_start3A_95 = tpu.memref_slice %arg2[%mul3A_2] : memref<819200xi32, #tpu.memory_space<hbm>> -> memref<25600xi32, #tpu.memory_space<hbm>>
      tpu.enqueue_dma source(%dma_start3A_95 : memref<25600xi32, #tpu.memory_space<hbm>>) target(%arg5 : memref<25600xi32, #tpu.memory_space<vmem>>) target_semaphore(%run_scoped3A : memref<!tpu.dma_semaphore, #tpu.memory_space<semaphore_mem>>)
      %dma_wait3A_96 = tpu.memref_slice %arg2[%mul3A_2] : memref<819200xi32, #tpu.memory_space<hbm>> -> memref<25600xi32, #tpu.memory_space<hbm>>
      %dma_wait3A_97 = tpu.memref_slice %arg2[%mul3A_2] : memref<819200xi32, #tpu.memory_space<hbm>> -> memref<25600xi32, #tpu.memory_space<hbm>>
      tpu.wait_dma2 semaphore(%run_scoped3A : memref<!tpu.dma_semaphore, #tpu.memory_space<semaphore_mem>>) src(%dma_wait3A_97 : memref<25600xi32, #tpu.memory_space<hbm>>) dst(%arg5 : memref<25600xi32, #tpu.memory_space<vmem>>)
      tpu.yield
    }) : () -> ()
    %scan3A = arith.constant 0 : i32
    %scan3A_3 = arith.constant 0 : i32
    %scan3A_4 = arith.constant 1600 : i32
    %scan3A_5 = arith.addi %scan3A_3, %scan3A_4 : i32
    %scan3A_6 = arith.constant 1 : i32
    scf.for %scan3A_94 = %scan3A_3 to %scan3A_5 step %scan3A_6  : i32 {
      %mul3A_95 = arith.constant 16 : i32
      %mul3A_96 = arith.muli %scan3A_94, %mul3A_95 : i32
      %add3A_97 = arith.addi %mul3A_2, %mul3A_96 : i32
      %iota3A = tpu.iota {dimensions = array<i32: 0>} : vector<16xi32>
      %add3A_98 = vector.broadcast %add3A_97 : i32 to vector<16xi32>
      %add3A_99 = arith.addi %add3A_98, %iota3A : vector<16xi32>
      %get3A = arith.index_cast %mul3A_96 : i32 to index
      %get3A_100 = tpu.vector_load %arg5[%get3A] {strides = array<i32>} : memref<25600xi32, #tpu.memory_space<vmem>>, vector<16xi32>,
      %get3A_101 = vector.shape_cast %get3A_100 : vector<16xi32> to vector<16xi32>
      %jit3A = arith.constant 200 : i32
      %eq3A = arith.constant 0 : i32
      %eq3A_102 = arith.cmpi eq, %jit3A, %eq3A : i32
      %jit3A_103 = arith.constant 1 : i32
      %select_n3A = arith.select %eq3A_102, %jit3A_103, %jit3A : i32
      %rem3A = vector.broadcast %select_n3A : i32 to vector<16xi32>
      %rem3A_104 = arith.remsi %add3A_99, %rem3A : vector<16xi32>
      %ne3A = arith.constant 0 : i32
      %ne3A_105 = vector.broadcast %ne3A : i32 to vector<16xi32>
      %ne3A_106 = arith.cmpi ne, %rem3A_104, %ne3A_105 : vector<16xi32>
      %lt3A = arith.constant 0 : i32
      %lt3A_107 = vector.broadcast %lt3A : i32 to vector<16xi32>
      %lt3A_108 = arith.cmpi slt, %rem3A_104, %lt3A_107 : vector<16xi32>
      %lt3A_109 = arith.constant 0 : i32
      %lt3A_110 = arith.cmpi slt, %select_n3A, %lt3A_109 : i32
      %ne3A_111 = vector.broadcast %lt3A_110 : i1 to vector<16xi1>
      %ne3A_112 = vector.broadcast %ne3A_111 : vector<16xi1> to vector<16xi1>
      %ne3A_113 = arith.xori %lt3A_108, %ne3A_112 : vector<16xi1>
      %and3A = arith.andi %ne3A_113, %ne3A_106 : vector<16xi1>
      %add3A_114 = vector.broadcast %select_n3A : i32 to vector<16xi32>
      %add3A_115 = arith.addi %rem3A_104, %add3A_114 : vector<16xi32>
      %select_n3A_116 = arith.select %and3A, %add3A_115, %rem3A_104 : vector<16xi1>, vector<16xi32>
      %mul3A_117 = arith.constant 256 : i32
      %mul3A_118 = vector.broadcast %mul3A_117 : i32 to vector<16xi32>
      %mul3A_119 = arith.muli %select_n3A_116, %mul3A_118 : vector<16xi32>
      %add3A_120 = arith.addi %get3A_101, %mul3A_119 : vector<16xi32>
      %swap3A = arith.index_cast %mul3A_96 : i32 to index
      %swap3A_121 = tpu.vector_load %arg5[%swap3A] {strides = array<i32>} : memref<25600xi32, #tpu.memory_space<vmem>>, vector<16xi32>,
      %swap3A_122 = vector.shape_cast %swap3A_121 : vector<16xi32> to vector<16xi32>
      %swap3A_123 = vector.shape_cast %add3A_120 : vector<16xi32> to vector<16xi32>
      tpu.vector_store %arg5[%swap3A], %swap3A_123 {strides = array<i32>} : memref<25600xi32, #tpu.memory_space<vmem>>, vector<16xi32>,
    }
    %scan3A_7 = arith.constant 1600 : i32
    %dma_start3A = arith.constant 0 : i32
    %dma_start3A_8 = arith.constant 0 : i32
    %dma_start3A_9 = arith.constant 0 : i32
    %dma_start3A_10 = tpu.memref_slice %arg6[%dma_start3A, %dma_start3A_8, %dma_start3A_9] : memref<4x128x128xf32, #tpu.memory_space<vmem>> -> memref<1x128x128xf32, #tpu.memory_space<vmem>>
    %dma_start3A_11 = tpu.memref_squeeze %dma_start3A_10 : memref<1x128x128xf32, #tpu.memory_space<vmem>> -> memref<128x128xf32, #tpu.memory_space<vmem>>
    %dma_start3A_12 = arith.constant 0 : i32
    %dma_start3A_13 = tpu.memref_slice %arg5[%dma_start3A_12] : memref<25600xi32, #tpu.memory_space<vmem>> -> memref<128xi32, #tpu.memory_space<vmem>>
    %dma_start3A_14 = arith.constant 0 : i32
    %dma_start3A_15 = arith.constant 0 : i32
    %dma_start3A_16 = tpu.memref_slice %arg3[%dma_start3A_14, %dma_start3A_15] : memref<51200x128xf32, #tpu.memory_space<hbm>> -> memref<51200x128xf32, #tpu.memory_space<hbm>>
    tpu.enqueue_indirect_dma source(%dma_start3A_16 : memref<51200x128xf32, #tpu.memory_space<hbm>>) target(%dma_start3A_11 : memref<128x128xf32, #tpu.memory_space<vmem>>) offsets(%dma_start3A_13 : memref<128xi32, #tpu.memory_space<vmem>>) semaphore(%arg7 : memref<!tpu.dma_semaphore, #tpu.memory_space<semaphore_mem>>)
    %dma_start3A_17 = arith.constant 1 : i32
    %dma_start3A_18 = arith.constant 0 : i32
    %dma_start3A_19 = arith.constant 0 : i32
    %dma_start3A_20 = tpu.memref_slice %arg6[%dma_start3A_17, %dma_start3A_18, %dma_start3A_19] : memref<4x128x128xf32, #tpu.memory_space<vmem>> -> memref<1x128x128xf32, #tpu.memory_space<vmem>>
    %dma_start3A_21 = tpu.memref_squeeze %dma_start3A_20 : memref<1x128x128xf32, #tpu.memory_space<vmem>> -> memref<128x128xf32, #tpu.memory_space<vmem>>
    %dma_start3A_22 = arith.constant 128 : i32
    %dma_start3A_23 = tpu.memref_slice %arg5[%dma_start3A_22] : memref<25600xi32, #tpu.memory_space<vmem>> -> memref<128xi32, #tpu.memory_space<vmem>>
    %dma_start3A_24 = arith.constant 0 : i32
    %dma_start3A_25 = arith.constant 0 : i32
    %dma_start3A_26 = tpu.memref_slice %arg3[%dma_start3A_24, %dma_start3A_25] : memref<51200x128xf32, #tpu.memory_space<hbm>> -> memref<51200x128xf32, #tpu.memory_space<hbm>>
    tpu.enqueue_indirect_dma source(%dma_start3A_26 : memref<51200x128xf32, #tpu.memory_space<hbm>>) target(%dma_start3A_21 : memref<128x128xf32, #tpu.memory_space<vmem>>) offsets(%dma_start3A_23 : memref<128xi32, #tpu.memory_space<vmem>>) semaphore(%arg8 : memref<!tpu.dma_semaphore, #tpu.memory_space<semaphore_mem>>)
    %dma_start3A_27 = arith.constant 2 : i32
    %dma_start3A_28 = arith.constant 0 : i32
    %dma_start3A_29 = arith.constant 0 : i32
    %dma_start3A_30 = tpu.memref_slice %arg6[%dma_start3A_27, %dma_start3A_28, %dma_start3A_29] : memref<4x128x128xf32, #tpu.memory_space<vmem>> -> memref<1x128x128xf32, #tpu.memory_space<vmem>>
    %dma_start3A_31 = tpu.memref_squeeze %dma_start3A_30 : memref<1x128x128xf32, #tpu.memory_space<vmem>> -> memref<128x128xf32, #tpu.memory_space<vmem>>
    %dma_start3A_32 = arith.constant 256 : i32
    %dma_start3A_33 = tpu.memref_slice %arg5[%dma_start3A_32] : memref<25600xi32, #tpu.memory_space<vmem>> -> memref<128xi32, #tpu.memory_space<vmem>>
    %dma_start3A_34 = arith.constant 0 : i32
    %dma_start3A_35 = arith.constant 0 : i32
    %dma_start3A_36 = tpu.memref_slice %arg3[%dma_start3A_34, %dma_start3A_35] : memref<51200x128xf32, #tpu.memory_space<hbm>> -> memref<51200x128xf32, #tpu.memory_space<hbm>>
    tpu.enqueue_indirect_dma source(%dma_start3A_36 : memref<51200x128xf32, #tpu.memory_space<hbm>>) target(%dma_start3A_31 : memref<128x128xf32, #tpu.memory_space<vmem>>) offsets(%dma_start3A_33 : memref<128xi32, #tpu.memory_space<vmem>>) semaphore(%arg9 : memref<!tpu.dma_semaphore, #tpu.memory_space<semaphore_mem>>)
    %scan3A_37 = arith.constant 0 : i32
    %scan3A_38 = arith.constant 0 : i32
    %scan3A_39 = arith.constant 50 : i32
    %scan3A_40 = arith.addi %scan3A_38, %scan3A_39 : i32
    %scan3A_41 = arith.constant 1 : i32
    scf.for %scan3A_94 = %scan3A_38 to %scan3A_40 step %scan3A_41  : i32 {
      %mul3A_95 = arith.constant 4 : i32
      %mul3A_96 = arith.muli %scan3A_94, %mul3A_95 : i32
      %add3A_97 = arith.constant 0 : i32
      %add3A_98 = arith.addi %mul3A_96, %add3A_97 : i32
      %mul3A_99 = arith.constant 128 : i32
      %mul3A_100 = arith.muli %add3A_98, %mul3A_99 : i32
      %dma_wait3A_101 = arith.constant 0 : i32
      %dma_wait3A_102 = arith.constant 0 : i32
      %dma_wait3A_103 = arith.constant 0 : i32
      %dma_wait3A_104 = tpu.memref_slice %arg6[%dma_wait3A_101, %dma_wait3A_102, %dma_wait3A_103] : memref<4x128x128xf32, #tpu.memory_space<vmem>> -> memref<1x128x128xf32, #tpu.memory_space<vmem>>
      %dma_wait3A_105 = tpu.memref_squeeze %dma_wait3A_104 : memref<1x128x128xf32, #tpu.memory_space<vmem>> -> memref<128x128xf32, #tpu.memory_space<vmem>>
      %dma_wait3A_106 = tpu.memref_slice %arg5[%mul3A_100] : memref<25600xi32, #tpu.memory_space<vmem>> -> memref<128xi32, #tpu.memory_space<vmem>>
      %dma_wait3A_107 = arith.constant 0 : i32
      %dma_wait3A_108 = arith.constant 0 : i32
      %dma_wait3A_109 = tpu.memref_slice %arg3[%dma_wait3A_107, %dma_wait3A_108] : memref<51200x128xf32, #tpu.memory_space<hbm>> -> memref<51200x128xf32, #tpu.memory_space<hbm>>
      tpu.wait_indirect_dma semaphore(%arg7 : memref<!tpu.dma_semaphore, #tpu.memory_space<semaphore_mem>>) src(%dma_wait3A_109 : memref<51200x128xf32, #tpu.memory_space<hbm>>) dst(%dma_wait3A_105 : memref<128x128xf32, #tpu.memory_space<vmem>>)
      %mul3A_110 = arith.constant 128 : i32
      %mul3A_111 = arith.muli %add3A_98, %mul3A_110 : i32
      %add3A_112 = arith.addi %mul3A_2, %mul3A_111 : i32
      %dma_start3A_113 = arith.constant 0 : i32
      %dma_start3A_114 = arith.constant 0 : i32
      %dma_start3A_115 = arith.constant 0 : i32
      %dma_start3A_116 = tpu.memref_slice %arg6[%dma_start3A_113, %dma_start3A_114, %dma_start3A_115] : memref<4x128x128xf32, #tpu.memory_space<vmem>> -> memref<1x128x128xf32, #tpu.memory_space<vmem>>
      %dma_start3A_117 = tpu.memref_squeeze %dma_start3A_116 : memref<1x128x128xf32, #tpu.memory_space<vmem>> -> memref<128x128xf32, #tpu.memory_space<vmem>>
      %dma_start3A_118 = arith.constant 0 : i32
      %dma_start3A_119 = tpu.memref_slice %arg4[%add3A_112, %dma_start3A_118] : memref<819200x128xf32, #tpu.memory_space<hbm>> -> memref<128x128xf32, #tpu.memory_space<hbm>>
      %dma_start3A_120 = arith.constant 0 : i32
      %dma_start3A_121 = tpu.memref_slice %arg4[%add3A_112, %dma_start3A_120] : memref<819200x128xf32, #tpu.memory_space<hbm>> -> memref<128x128xf32, #tpu.memory_space<hbm>>
      %dma_start3A_122 = arith.constant 0 : i32
      %dma_start3A_123 = arith.constant 0 : i32
      %dma_start3A_124 = tpu.memref_slice %arg6[%dma_start3A_113, %dma_start3A_122, %dma_start3A_123] : memref<4x128x128xf32, #tpu.memory_space<vmem>> -> memref<1x128x128xf32, #tpu.memory_space<vmem>>
      %dma_start3A_125 = tpu.memref_squeeze %dma_start3A_124 : memref<1x128x128xf32, #tpu.memory_space<vmem>> -> memref<128x128xf32, #tpu.memory_space<vmem>>
      tpu.enqueue_dma source(%dma_start3A_125 : memref<128x128xf32, #tpu.memory_space<vmem>>) target(%dma_start3A_121 : memref<128x128xf32, #tpu.memory_space<hbm>>) target_semaphore(%arg11 : memref<!tpu.dma_semaphore, #tpu.memory_space<semaphore_mem>>)
      %add3A_126 = arith.constant 4 : i32
      %add3A_127 = arith.addi %add3A_98, %add3A_126 : i32
      %sub3A = arith.constant 1 : i32
      %sub3A_128 = arith.subi %add3A_127, %sub3A : i32
      %lt3A = arith.constant 200 : i32
      %lt3A_129 = arith.cmpi slt, %sub3A_128, %lt3A : i32
      %convert_element_type3A = arith.extui %lt3A_129 : i1 to i32
      %cond3A = arith.constant 0 : i32
      %cond3A_130 = arith.cmpi ne, %convert_element_type3A, %cond3A : i32
      scf.if %cond3A_130 {
        %ge3A = arith.constant 1 : i32
        %ge3A_251 = arith.cmpi sge, %add3A_98, %ge3A : i32
        %convert_element_type3A_252 = arith.extui %ge3A_251 : i1 to i32
        %cond3A_253 = arith.constant 0 : i32
        %cond3A_254 = arith.cmpi ne, %convert_element_type3A_252, %cond3A_253 : i32
        scf.if %cond3A_254 {
          %dma_wait3A_266 = arith.constant 3 : i32
          %dma_wait3A_267 = arith.constant 0 : i32
          %dma_wait3A_268 = arith.constant 0 : i32
          %dma_wait3A_269 = tpu.memref_slice %arg6[%dma_wait3A_266, %dma_wait3A_267, %dma_wait3A_268] : memref<4x128x128xf32, #tpu.memory_space<vmem>> -> memref<1x128x128xf32, #tpu.memory_space<vmem>>
          %dma_wait3A_270 = tpu.memref_squeeze %dma_wait3A_269 : memref<1x128x128xf32, #tpu.memory_space<vmem>> -> memref<128x128xf32, #tpu.memory_space<vmem>>
          %dma_wait3A_271 = arith.constant 0 : i32
          %dma_wait3A_272 = tpu.memref_slice %arg4[%mul3A_2, %dma_wait3A_271] : memref<819200x128xf32, #tpu.memory_space<hbm>> -> memref<128x128xf32, #tpu.memory_space<hbm>>
          %dma_wait3A_273 = arith.constant 0 : i32
          %dma_wait3A_274 = tpu.memref_slice %arg4[%mul3A_2, %dma_wait3A_273] : memref<819200x128xf32, #tpu.memory_space<hbm>> -> memref<128x128xf32, #tpu.memory_space<hbm>>
          %dma_wait3A_275 = arith.constant 0 : i32
          %dma_wait3A_276 = arith.constant 0 : i32
          %dma_wait3A_277 = tpu.memref_slice %arg6[%dma_wait3A_266, %dma_wait3A_275, %dma_wait3A_276] : memref<4x128x128xf32, #tpu.memory_space<vmem>> -> memref<1x128x128xf32, #tpu.memory_space<vmem>>
          %dma_wait3A_278 = tpu.memref_squeeze %dma_wait3A_277 : memref<1x128x128xf32, #tpu.memory_space<vmem>> -> memref<128x128xf32, #tpu.memory_space<vmem>>
          tpu.wait_dma2 semaphore(%arg14 : memref<!tpu.dma_semaphore, #tpu.memory_space<semaphore_mem>>) src(%dma_wait3A_278 : memref<128x128xf32, #tpu.memory_space<vmem>>) dst(%dma_wait3A_274 : memref<128x128xf32, #tpu.memory_space<hbm>>)
        } else {
        }
        %mul3A_255 = arith.constant 128 : i32
        %mul3A_256 = arith.muli %sub3A_128, %mul3A_255 : i32
        %dma_start3A_257 = arith.constant 3 : i32
        %dma_start3A_258 = arith.constant 0 : i32
        %dma_start3A_259 = arith.constant 0 : i32
        %dma_start3A_260 = tpu.memref_slice %arg6[%dma_start3A_257, %dma_start3A_258, %dma_start3A_259] : memref<4x128x128xf32, #tpu.memory_space<vmem>> -> memref<1x128x128xf32, #tpu.memory_space<vmem>>
        %dma_start3A_261 = tpu.memref_squeeze %dma_start3A_260 : memref<1x128x128xf32, #tpu.memory_space<vmem>> -> memref<128x128xf32, #tpu.memory_space<vmem>>
        %dma_start3A_262 = tpu.memref_slice %arg5[%mul3A_256] : memref<25600xi32, #tpu.memory_space<vmem>> -> memref<128xi32, #tpu.memory_space<vmem>>
        %dma_start3A_263 = arith.constant 0 : i32
        %dma_start3A_264 = arith.constant 0 : i32
        %dma_start3A_265 = tpu.memref_slice %arg3[%dma_start3A_263, %dma_start3A_264] : memref<51200x128xf32, #tpu.memory_space<hbm>> -> memref<51200x128xf32, #tpu.memory_space<hbm>>
        tpu.enqueue_indirect_dma source(%dma_start3A_265 : memref<51200x128xf32, #tpu.memory_space<hbm>>) target(%dma_start3A_261 : memref<128x128xf32, #tpu.memory_space<vmem>>) offsets(%dma_start3A_262 : memref<128xi32, #tpu.memory_space<vmem>>) semaphore(%arg10 : memref<!tpu.dma_semaphore, #tpu.memory_space<semaphore_mem>>)
      } else {
      }
      %mul3A_131 = arith.constant 4 : i32
      %mul3A_132 = arith.muli %scan3A_94, %mul3A_131 : i32
      %add3A_133 = arith.constant 1 : i32
      %add3A_134 = arith.addi %mul3A_132, %add3A_133 : i32
      %mul3A_135 = arith.constant 128 : i32
      %mul3A_136 = arith.muli %add3A_134, %mul3A_135 : i32
      %dma_wait3A_137 = arith.constant 1 : i32
      %dma_wait3A_138 = arith.constant 0 : i32
      %dma_wait3A_139 = arith.constant 0 : i32
      %dma_wait3A_140 = tpu.memref_slice %arg6[%dma_wait3A_137, %dma_wait3A_138, %dma_wait3A_139] : memref<4x128x128xf32, #tpu.memory_space<vmem>> -> memref<1x128x128xf32, #tpu.memory_space<vmem>>
      %dma_wait3A_141 = tpu.memref_squeeze %dma_wait3A_140 : memref<1x128x128xf32, #tpu.memory_space<vmem>> -> memref<128x128xf32, #tpu.memory_space<vmem>>
      %dma_wait3A_142 = tpu.memref_slice %arg5[%mul3A_136] : memref<25600xi32, #tpu.memory_space<vmem>> -> memref<128xi32, #tpu.memory_space<vmem>>
      %dma_wait3A_143 = arith.constant 0 : i32
      %dma_wait3A_144 = arith.constant 0 : i32
      %dma_wait3A_145 = tpu.memref_slice %arg3[%dma_wait3A_143, %dma_wait3A_144] : memref<51200x128xf32, #tpu.memory_space<hbm>> -> memref<51200x128xf32, #tpu.memory_space<hbm>>
      tpu.wait_indirect_dma semaphore(%arg8 : memref<!tpu.dma_semaphore, #tpu.memory_space<semaphore_mem>>) src(%dma_wait3A_145 : memref<51200x128xf32, #tpu.memory_space<hbm>>) dst(%dma_wait3A_141 : memref<128x128xf32, #tpu.memory_space<vmem>>)
      %mul3A_146 = arith.constant 128 : i32
      %mul3A_147 = arith.muli %add3A_134, %mul3A_146 : i32
      %add3A_148 = arith.addi %mul3A_2, %mul3A_147 : i32
      %dma_start3A_149 = arith.constant 1 : i32
      %dma_start3A_150 = arith.constant 0 : i32
      %dma_start3A_151 = arith.constant 0 : i32
      %dma_start3A_152 = tpu.memref_slice %arg6[%dma_start3A_149, %dma_start3A_150, %dma_start3A_151] : memref<4x128x128xf32, #tpu.memory_space<vmem>> -> memref<1x128x128xf32, #tpu.memory_space<vmem>>
      %dma_start3A_153 = tpu.memref_squeeze %dma_start3A_152 : memref<1x128x128xf32, #tpu.memory_space<vmem>> -> memref<128x128xf32, #tpu.memory_space<vmem>>
      %dma_start3A_154 = arith.constant 0 : i32
      %dma_start3A_155 = tpu.memref_slice %arg4[%add3A_148, %dma_start3A_154] : memref<819200x128xf32, #tpu.memory_space<hbm>> -> memref<128x128xf32, #tpu.memory_space<hbm>>
      %dma_start3A_156 = arith.constant 0 : i32
      %dma_start3A_157 = tpu.memref_slice %arg4[%add3A_148, %dma_start3A_156] : memref<819200x128xf32, #tpu.memory_space<hbm>> -> memref<128x128xf32, #tpu.memory_space<hbm>>
      %dma_start3A_158 = arith.constant 0 : i32
      %dma_start3A_159 = arith.constant 0 : i32
      %dma_start3A_160 = tpu.memref_slice %arg6[%dma_start3A_149, %dma_start3A_158, %dma_start3A_159] : memref<4x128x128xf32, #tpu.memory_space<vmem>> -> memref<1x128x128xf32, #tpu.memory_space<vmem>>
      %dma_start3A_161 = tpu.memref_squeeze %dma_start3A_160 : memref<1x128x128xf32, #tpu.memory_space<vmem>> -> memref<128x128xf32, #tpu.memory_space<vmem>>
      tpu.enqueue_dma source(%dma_start3A_161 : memref<128x128xf32, #tpu.memory_space<vmem>>) target(%dma_start3A_157 : memref<128x128xf32, #tpu.memory_space<hbm>>) target_semaphore(%arg12 : memref<!tpu.dma_semaphore, #tpu.memory_space<semaphore_mem>>)
      %add3A_162 = arith.constant 4 : i32
      %add3A_163 = arith.addi %add3A_134, %add3A_162 : i32
      %sub3A_164 = arith.constant 1 : i32
      %sub3A_165 = arith.subi %add3A_163, %sub3A_164 : i32
      %lt3A_166 = arith.constant 200 : i32
      %lt3A_167 = arith.cmpi slt, %sub3A_165, %lt3A_166 : i32
      %convert_element_type3A_168 = arith.extui %lt3A_167 : i1 to i32
      %cond3A_169 = arith.constant 0 : i32
      %cond3A_170 = arith.cmpi ne, %convert_element_type3A_168, %cond3A_169 : i32
      scf.if %cond3A_170 {
        %ge3A = arith.constant 1 : i32
        %ge3A_251 = arith.cmpi sge, %add3A_134, %ge3A : i32
        %convert_element_type3A_252 = arith.extui %ge3A_251 : i1 to i32
        %cond3A_253 = arith.constant 0 : i32
        %cond3A_254 = arith.cmpi ne, %convert_element_type3A_252, %cond3A_253 : i32
        scf.if %cond3A_254 {
          %dma_wait3A_266 = arith.constant 0 : i32
          %dma_wait3A_267 = arith.constant 0 : i32
          %dma_wait3A_268 = arith.constant 0 : i32
          %dma_wait3A_269 = tpu.memref_slice %arg6[%dma_wait3A_266, %dma_wait3A_267, %dma_wait3A_268] : memref<4x128x128xf32, #tpu.memory_space<vmem>> -> memref<1x128x128xf32, #tpu.memory_space<vmem>>
          %dma_wait3A_270 = tpu.memref_squeeze %dma_wait3A_269 : memref<1x128x128xf32, #tpu.memory_space<vmem>> -> memref<128x128xf32, #tpu.memory_space<vmem>>
          %dma_wait3A_271 = arith.constant 0 : i32
          %dma_wait3A_272 = tpu.memref_slice %arg4[%mul3A_2, %dma_wait3A_271] : memref<819200x128xf32, #tpu.memory_space<hbm>> -> memref<128x128xf32, #tpu.memory_space<hbm>>
          %dma_wait3A_273 = arith.constant 0 : i32
          %dma_wait3A_274 = tpu.memref_slice %arg4[%mul3A_2, %dma_wait3A_273] : memref<819200x128xf32, #tpu.memory_space<hbm>> -> memref<128x128xf32, #tpu.memory_space<hbm>>
          %dma_wait3A_275 = arith.constant 0 : i32
          %dma_wait3A_276 = arith.constant 0 : i32
          %dma_wait3A_277 = tpu.memref_slice %arg6[%dma_wait3A_266, %dma_wait3A_275, %dma_wait3A_276] : memref<4x128x128xf32, #tpu.memory_space<vmem>> -> memref<1x128x128xf32, #tpu.memory_space<vmem>>
          %dma_wait3A_278 = tpu.memref_squeeze %dma_wait3A_277 : memref<1x128x128xf32, #tpu.memory_space<vmem>> -> memref<128x128xf32, #tpu.memory_space<vmem>>
          tpu.wait_dma2 semaphore(%arg11 : memref<!tpu.dma_semaphore, #tpu.memory_space<semaphore_mem>>) src(%dma_wait3A_278 : memref<128x128xf32, #tpu.memory_space<vmem>>) dst(%dma_wait3A_274 : memref<128x128xf32, #tpu.memory_space<hbm>>)
        } else {
        }
        %mul3A_255 = arith.constant 128 : i32
        %mul3A_256 = arith.muli %sub3A_165, %mul3A_255 : i32
        %dma_start3A_257 = arith.constant 0 : i32
        %dma_start3A_258 = arith.constant 0 : i32
        %dma_start3A_259 = arith.constant 0 : i32
        %dma_start3A_260 = tpu.memref_slice %arg6[%dma_start3A_257, %dma_start3A_258, %dma_start3A_259] : memref<4x128x128xf32, #tpu.memory_space<vmem>> -> memref<1x128x128xf32, #tpu.memory_space<vmem>>
        %dma_start3A_261 = tpu.memref_squeeze %dma_start3A_260 : memref<1x128x128xf32, #tpu.memory_space<vmem>> -> memref<128x128xf32, #tpu.memory_space<vmem>>
        %dma_start3A_262 = tpu.memref_slice %arg5[%mul3A_256] : memref<25600xi32, #tpu.memory_space<vmem>> -> memref<128xi32, #tpu.memory_space<vmem>>
        %dma_start3A_263 = arith.constant 0 : i32
        %dma_start3A_264 = arith.constant 0 : i32
        %dma_start3A_265 = tpu.memref_slice %arg3[%dma_start3A_263, %dma_start3A_264] : memref<51200x128xf32, #tpu.memory_space<hbm>> -> memref<51200x128xf32, #tpu.memory_space<hbm>>
        tpu.enqueue_indirect_dma source(%dma_start3A_265 : memref<51200x128xf32, #tpu.memory_space<hbm>>) target(%dma_start3A_261 : memref<128x128xf32, #tpu.memory_space<vmem>>) offsets(%dma_start3A_262 : memref<128xi32, #tpu.memory_space<vmem>>) semaphore(%arg7 : memref<!tpu.dma_semaphore, #tpu.memory_space<semaphore_mem>>)
      } else {
      }
      %mul3A_171 = arith.constant 4 : i32
      %mul3A_172 = arith.muli %scan3A_94, %mul3A_171 : i32
      %add3A_173 = arith.constant 2 : i32
      %add3A_174 = arith.addi %mul3A_172, %add3A_173 : i32
      %mul3A_175 = arith.constant 128 : i32
      %mul3A_176 = arith.muli %add3A_174, %mul3A_175 : i32
      %dma_wait3A_177 = arith.constant 2 : i32
      %dma_wait3A_178 = arith.constant 0 : i32
      %dma_wait3A_179 = arith.constant 0 : i32
      %dma_wait3A_180 = tpu.memref_slice %arg6[%dma_wait3A_177, %dma_wait3A_178, %dma_wait3A_179] : memref<4x128x128xf32, #tpu.memory_space<vmem>> -> memref<1x128x128xf32, #tpu.memory_space<vmem>>
      %dma_wait3A_181 = tpu.memref_squeeze %dma_wait3A_180 : memref<1x128x128xf32, #tpu.memory_space<vmem>> -> memref<128x128xf32, #tpu.memory_space<vmem>>
      %dma_wait3A_182 = tpu.memref_slice %arg5[%mul3A_176] : memref<25600xi32, #tpu.memory_space<vmem>> -> memref<128xi32, #tpu.memory_space<vmem>>
      %dma_wait3A_183 = arith.constant 0 : i32
      %dma_wait3A_184 = arith.constant 0 : i32
      %dma_wait3A_185 = tpu.memref_slice %arg3[%dma_wait3A_183, %dma_wait3A_184] : memref<51200x128xf32, #tpu.memory_space<hbm>> -> memref<51200x128xf32, #tpu.memory_space<hbm>>
      tpu.wait_indirect_dma semaphore(%arg9 : memref<!tpu.dma_semaphore, #tpu.memory_space<semaphore_mem>>) src(%dma_wait3A_185 : memref<51200x128xf32, #tpu.memory_space<hbm>>) dst(%dma_wait3A_181 : memref<128x128xf32, #tpu.memory_space<vmem>>)
      %mul3A_186 = arith.constant 128 : i32
      %mul3A_187 = arith.muli %add3A_174, %mul3A_186 : i32
      %add3A_188 = arith.addi %mul3A_2, %mul3A_187 : i32
      %dma_start3A_189 = arith.constant 2 : i32
      %dma_start3A_190 = arith.constant 0 : i32
      %dma_start3A_191 = arith.constant 0 : i32
      %dma_start3A_192 = tpu.memref_slice %arg6[%dma_start3A_189, %dma_start3A_190, %dma_start3A_191] : memref<4x128x128xf32, #tpu.memory_space<vmem>> -> memref<1x128x128xf32, #tpu.memory_space<vmem>>
      %dma_start3A_193 = tpu.memref_squeeze %dma_start3A_192 : memref<1x128x128xf32, #tpu.memory_space<vmem>> -> memref<128x128xf32, #tpu.memory_space<vmem>>
      %dma_start3A_194 = arith.constant 0 : i32
      %dma_start3A_195 = tpu.memref_slice %arg4[%add3A_188, %dma_start3A_194] : memref<819200x128xf32, #tpu.memory_space<hbm>> -> memref<128x128xf32, #tpu.memory_space<hbm>>
      %dma_start3A_196 = arith.constant 0 : i32
      %dma_start3A_197 = tpu.memref_slice %arg4[%add3A_188, %dma_start3A_196] : memref<819200x128xf32, #tpu.memory_space<hbm>> -> memref<128x128xf32, #tpu.memory_space<hbm>>
      %dma_start3A_198 = arith.constant 0 : i32
      %dma_start3A_199 = arith.constant 0 : i32
      %dma_start3A_200 = tpu.memref_slice %arg6[%dma_start3A_189, %dma_start3A_198, %dma_start3A_199] : memref<4x128x128xf32, #tpu.memory_space<vmem>> -> memref<1x128x128xf32, #tpu.memory_space<vmem>>
      %dma_start3A_201 = tpu.memref_squeeze %dma_start3A_200 : memref<1x128x128xf32, #tpu.memory_space<vmem>> -> memref<128x128xf32, #tpu.memory_space<vmem>>
      tpu.enqueue_dma source(%dma_start3A_201 : memref<128x128xf32, #tpu.memory_space<vmem>>) target(%dma_start3A_197 : memref<128x128xf32, #tpu.memory_space<hbm>>) target_semaphore(%arg13 : memref<!tpu.dma_semaphore, #tpu.memory_space<semaphore_mem>>)
      %add3A_202 = arith.constant 4 : i32
      %add3A_203 = arith.addi %add3A_174, %add3A_202 : i32
      %sub3A_204 = arith.constant 1 : i32
      %sub3A_205 = arith.subi %add3A_203, %sub3A_204 : i32
      %lt3A_206 = arith.constant 200 : i32
      %lt3A_207 = arith.cmpi slt, %sub3A_205, %lt3A_206 : i32
      %convert_element_type3A_208 = arith.extui %lt3A_207 : i1 to i32
      %cond3A_209 = arith.constant 0 : i32
      %cond3A_210 = arith.cmpi ne, %convert_element_type3A_208, %cond3A_209 : i32
      scf.if %cond3A_210 {
        %ge3A = arith.constant 1 : i32
        %ge3A_251 = arith.cmpi sge, %add3A_174, %ge3A : i32
        %convert_element_type3A_252 = arith.extui %ge3A_251 : i1 to i32
        %cond3A_253 = arith.constant 0 : i32
        %cond3A_254 = arith.cmpi ne, %convert_element_type3A_252, %cond3A_253 : i32
        scf.if %cond3A_254 {
          %dma_wait3A_266 = arith.constant 1 : i32
          %dma_wait3A_267 = arith.constant 0 : i32
          %dma_wait3A_268 = arith.constant 0 : i32
          %dma_wait3A_269 = tpu.memref_slice %arg6[%dma_wait3A_266, %dma_wait3A_267, %dma_wait3A_268] : memref<4x128x128xf32, #tpu.memory_space<vmem>> -> memref<1x128x128xf32, #tpu.memory_space<vmem>>
          %dma_wait3A_270 = tpu.memref_squeeze %dma_wait3A_269 : memref<1x128x128xf32, #tpu.memory_space<vmem>> -> memref<128x128xf32, #tpu.memory_space<vmem>>
          %dma_wait3A_271 = arith.constant 0 : i32
          %dma_wait3A_272 = tpu.memref_slice %arg4[%mul3A_2, %dma_wait3A_271] : memref<819200x128xf32, #tpu.memory_space<hbm>> -> memref<128x128xf32, #tpu.memory_space<hbm>>
          %dma_wait3A_273 = arith.constant 0 : i32
          %dma_wait3A_274 = tpu.memref_slice %arg4[%mul3A_2, %dma_wait3A_273] : memref<819200x128xf32, #tpu.memory_space<hbm>> -> memref<128x128xf32, #tpu.memory_space<hbm>>
          %dma_wait3A_275 = arith.constant 0 : i32
          %dma_wait3A_276 = arith.constant 0 : i32
          %dma_wait3A_277 = tpu.memref_slice %arg6[%dma_wait3A_266, %dma_wait3A_275, %dma_wait3A_276] : memref<4x128x128xf32, #tpu.memory_space<vmem>> -> memref<1x128x128xf32, #tpu.memory_space<vmem>>
          %dma_wait3A_278 = tpu.memref_squeeze %dma_wait3A_277 : memref<1x128x128xf32, #tpu.memory_space<vmem>> -> memref<128x128xf32, #tpu.memory_space<vmem>>
          tpu.wait_dma2 semaphore(%arg12 : memref<!tpu.dma_semaphore, #tpu.memory_space<semaphore_mem>>) src(%dma_wait3A_278 : memref<128x128xf32, #tpu.memory_space<vmem>>) dst(%dma_wait3A_274 : memref<128x128xf32, #tpu.memory_space<hbm>>)
        } else {
        }
        %mul3A_255 = arith.constant 128 : i32
        %mul3A_256 = arith.muli %sub3A_205, %mul3A_255 : i32
        %dma_start3A_257 = arith.constant 1 : i32
        %dma_start3A_258 = arith.constant 0 : i32
        %dma_start3A_259 = arith.constant 0 : i32
        %dma_start3A_260 = tpu.memref_slice %arg6[%dma_start3A_257, %dma_start3A_258, %dma_start3A_259] : memref<4x128x128xf32, #tpu.memory_space<vmem>> -> memref<1x128x128xf32, #tpu.memory_space<vmem>>
        %dma_start3A_261 = tpu.memref_squeeze %dma_start3A_260 : memref<1x128x128xf32, #tpu.memory_space<vmem>> -> memref<128x128xf32, #tpu.memory_space<vmem>>
        %dma_start3A_262 = tpu.memref_slice %arg5[%mul3A_256] : memref<25600xi32, #tpu.memory_space<vmem>> -> memref<128xi32, #tpu.memory_space<vmem>>
        %dma_start3A_263 = arith.constant 0 : i32
        %dma_start3A_264 = arith.constant 0 : i32
        %dma_start3A_265 = tpu.memref_slice %arg3[%dma_start3A_263, %dma_start3A_264] : memref<51200x128xf32, #tpu.memory_space<hbm>> -> memref<51200x128xf32, #tpu.memory_space<hbm>>
        tpu.enqueue_indirect_dma source(%dma_start3A_265 : memref<51200x128xf32, #tpu.memory_space<hbm>>) target(%dma_start3A_261 : memref<128x128xf32, #tpu.memory_space<vmem>>) offsets(%dma_start3A_262 : memref<128xi32, #tpu.memory_space<vmem>>) semaphore(%arg8 : memref<!tpu.dma_semaphore, #tpu.memory_space<semaphore_mem>>)
      } else {
      }
      %mul3A_211 = arith.constant 4 : i32
      %mul3A_212 = arith.muli %scan3A_94, %mul3A_211 : i32
      %add3A_213 = arith.constant 3 : i32
      %add3A_214 = arith.addi %mul3A_212, %add3A_213 : i32
      %mul3A_215 = arith.constant 128 : i32
      %mul3A_216 = arith.muli %add3A_214, %mul3A_215 : i32
      %dma_wait3A_217 = arith.constant 3 : i32
      %dma_wait3A_218 = arith.constant 0 : i32
      %dma_wait3A_219 = arith.constant 0 : i32
      %dma_wait3A_220 = tpu.memref_slice %arg6[%dma_wait3A_217, %dma_wait3A_218, %dma_wait3A_219] : memref<4x128x128xf32, #tpu.memory_space<vmem>> -> memref<1x128x128xf32, #tpu.memory_space<vmem>>
      %dma_wait3A_221 = tpu.memref_squeeze %dma_wait3A_220 : memref<1x128x128xf32, #tpu.memory_space<vmem>> -> memref<128x128xf32, #tpu.memory_space<vmem>>
      %dma_wait3A_222 = tpu.memref_slice %arg5[%mul3A_216] : memref<25600xi32, #tpu.memory_space<vmem>> -> memref<128xi32, #tpu.memory_space<vmem>>
      %dma_wait3A_223 = arith.constant 0 : i32
      %dma_wait3A_224 = arith.constant 0 : i32
      %dma_wait3A_225 = tpu.memref_slice %arg3[%dma_wait3A_223, %dma_wait3A_224] : memref<51200x128xf32, #tpu.memory_space<hbm>> -> memref<51200x128xf32, #tpu.memory_space<hbm>>
      tpu.wait_indirect_dma semaphore(%arg10 : memref<!tpu.dma_semaphore, #tpu.memory_space<semaphore_mem>>) src(%dma_wait3A_225 : memref<51200x128xf32, #tpu.memory_space<hbm>>) dst(%dma_wait3A_221 : memref<128x128xf32, #tpu.memory_space<vmem>>)
      %mul3A_226 = arith.constant 128 : i32
      %mul3A_227 = arith.muli %add3A_214, %mul3A_226 : i32
      %add3A_228 = arith.addi %mul3A_2, %mul3A_227 : i32
      %dma_start3A_229 = arith.constant 3 : i32
      %dma_start3A_230 = arith.constant 0 : i32
      %dma_start3A_231 = arith.constant 0 : i32
      %dma_start3A_232 = tpu.memref_slice %arg6[%dma_start3A_229, %dma_start3A_230, %dma_start3A_231] : memref<4x128x128xf32, #tpu.memory_space<vmem>> -> memref<1x128x128xf32, #tpu.memory_space<vmem>>
      %dma_start3A_233 = tpu.memref_squeeze %dma_start3A_232 : memref<1x128x128xf32, #tpu.memory_space<vmem>> -> memref<128x128xf32, #tpu.memory_space<vmem>>
      %dma_start3A_234 = arith.constant 0 : i32
      %dma_start3A_235 = tpu.memref_slice %arg4[%add3A_228, %dma_start3A_234] : memref<819200x128xf32, #tpu.memory_space<hbm>> -> memref<128x128xf32, #tpu.memory_space<hbm>>
      %dma_start3A_236 = arith.constant 0 : i32
      %dma_start3A_237 = tpu.memref_slice %arg4[%add3A_228, %dma_start3A_236] : memref<819200x128xf32, #tpu.memory_space<hbm>> -> memref<128x128xf32, #tpu.memory_space<hbm>>
      %dma_start3A_238 = arith.constant 0 : i32
      %dma_start3A_239 = arith.constant 0 : i32
      %dma_start3A_240 = tpu.memref_slice %arg6[%dma_start3A_229, %dma_start3A_238, %dma_start3A_239] : memref<4x128x128xf32, #tpu.memory_space<vmem>> -> memref<1x128x128xf32, #tpu.memory_space<vmem>>
      %dma_start3A_241 = tpu.memref_squeeze %dma_start3A_240 : memref<1x128x128xf32, #tpu.memory_space<vmem>> -> memref<128x128xf32, #tpu.memory_space<vmem>>
      tpu.enqueue_dma source(%dma_start3A_241 : memref<128x128xf32, #tpu.memory_space<vmem>>) target(%dma_start3A_237 : memref<128x128xf32, #tpu.memory_space<hbm>>) target_semaphore(%arg14 : memref<!tpu.dma_semaphore, #tpu.memory_space<semaphore_mem>>)
      %add3A_242 = arith.constant 4 : i32
      %add3A_243 = arith.addi %add3A_214, %add3A_242 : i32
      %sub3A_244 = arith.constant 1 : i32
      %sub3A_245 = arith.subi %add3A_243, %sub3A_244 : i32
      %lt3A_246 = arith.constant 200 : i32
      %lt3A_247 = arith.cmpi slt, %sub3A_245, %lt3A_246 : i32
      %convert_element_type3A_248 = arith.extui %lt3A_247 : i1 to i32
      %cond3A_249 = arith.constant 0 : i32
      %cond3A_250 = arith.cmpi ne, %convert_element_type3A_248, %cond3A_249 : i32
      scf.if %cond3A_250 {
        %ge3A = arith.constant 1 : i32
        %ge3A_251 = arith.cmpi sge, %add3A_214, %ge3A : i32
        %convert_element_type3A_252 = arith.extui %ge3A_251 : i1 to i32
        %cond3A_253 = arith.constant 0 : i32
        %cond3A_254 = arith.cmpi ne, %convert_element_type3A_252, %cond3A_253 : i32
        scf.if %cond3A_254 {
          %dma_wait3A_266 = arith.constant 2 : i32
          %dma_wait3A_267 = arith.constant 0 : i32
          %dma_wait3A_268 = arith.constant 0 : i32
          %dma_wait3A_269 = tpu.memref_slice %arg6[%dma_wait3A_266, %dma_wait3A_267, %dma_wait3A_268] : memref<4x128x128xf32, #tpu.memory_space<vmem>> -> memref<1x128x128xf32, #tpu.memory_space<vmem>>
          %dma_wait3A_270 = tpu.memref_squeeze %dma_wait3A_269 : memref<1x128x128xf32, #tpu.memory_space<vmem>> -> memref<128x128xf32, #tpu.memory_space<vmem>>
          %dma_wait3A_271 = arith.constant 0 : i32
          %dma_wait3A_272 = tpu.memref_slice %arg4[%mul3A_2, %dma_wait3A_271] : memref<819200x128xf32, #tpu.memory_space<hbm>> -> memref<128x128xf32, #tpu.memory_space<hbm>>
          %dma_wait3A_273 = arith.constant 0 : i32
          %dma_wait3A_274 = tpu.memref_slice %arg4[%mul3A_2, %dma_wait3A_273] : memref<819200x128xf32, #tpu.memory_space<hbm>> -> memref<128x128xf32, #tpu.memory_space<hbm>>
          %dma_wait3A_275 = arith.constant 0 : i32
          %dma_wait3A_276 = arith.constant 0 : i32
          %dma_wait3A_277 = tpu.memref_slice %arg6[%dma_wait3A_266, %dma_wait3A_275, %dma_wait3A_276] : memref<4x128x128xf32, #tpu.memory_space<vmem>> -> memref<1x128x128xf32, #tpu.memory_space<vmem>>
          %dma_wait3A_278 = tpu.memref_squeeze %dma_wait3A_277 : memref<1x128x128xf32, #tpu.memory_space<vmem>> -> memref<128x128xf32, #tpu.memory_space<vmem>>
          tpu.wait_dma2 semaphore(%arg13 : memref<!tpu.dma_semaphore, #tpu.memory_space<semaphore_mem>>) src(%dma_wait3A_278 : memref<128x128xf32, #tpu.memory_space<vmem>>) dst(%dma_wait3A_274 : memref<128x128xf32, #tpu.memory_space<hbm>>)
        } else {
        }
        %mul3A_255 = arith.constant 128 : i32
        %mul3A_256 = arith.muli %sub3A_245, %mul3A_255 : i32
        %dma_start3A_257 = arith.constant 2 : i32
        %dma_start3A_258 = arith.constant 0 : i32
        %dma_start3A_259 = arith.constant 0 : i32
        %dma_start3A_260 = tpu.memref_slice %arg6[%dma_start3A_257, %dma_start3A_258, %dma_start3A_259] : memref<4x128x128xf32, #tpu.memory_space<vmem>> -> memref<1x128x128xf32, #tpu.memory_space<vmem>>
        %dma_start3A_261 = tpu.memref_squeeze %dma_start3A_260 : memref<1x128x128xf32, #tpu.memory_space<vmem>> -> memref<128x128xf32, #tpu.memory_space<vmem>>
        %dma_start3A_262 = tpu.memref_slice %arg5[%mul3A_256] : memref<25600xi32, #tpu.memory_space<vmem>> -> memref<128xi32, #tpu.memory_space<vmem>>
        %dma_start3A_263 = arith.constant 0 : i32
        %dma_start3A_264 = arith.constant 0 : i32
        %dma_start3A_265 = tpu.memref_slice %arg3[%dma_start3A_263, %dma_start3A_264] : memref<51200x128xf32, #tpu.memory_space<hbm>> -> memref<51200x128xf32, #tpu.memory_space<hbm>>
        tpu.enqueue_indirect_dma source(%dma_start3A_265 : memref<51200x128xf32, #tpu.memory_space<hbm>>) target(%dma_start3A_261 : memref<128x128xf32, #tpu.memory_space<vmem>>) offsets(%dma_start3A_262 : memref<128xi32, #tpu.memory_space<vmem>>) semaphore(%arg9 : memref<!tpu.dma_semaphore, #tpu.memory_space<semaphore_mem>>)
      } else {
      }
    }
    %scan3A_42 = arith.constant 50 : i32
    %dma_wait3A = arith.constant 0 : i32
    %dma_wait3A_43 = arith.constant 0 : i32
    %dma_wait3A_44 = arith.constant 0 : i32
    %dma_wait3A_45 = tpu.memref_slice %arg6[%dma_wait3A, %dma_wait3A_43, %dma_wait3A_44] : memref<4x128x128xf32, #tpu.memory_space<vmem>> -> memref<1x128x128xf32, #tpu.memory_space<vmem>>
    %dma_wait3A_46 = tpu.memref_squeeze %dma_wait3A_45 : memref<1x128x128xf32, #tpu.memory_space<vmem>> -> memref<128x128xf32, #tpu.memory_space<vmem>>
    %dma_wait3A_47 = arith.constant 0 : i32
    %dma_wait3A_48 = tpu.memref_slice %arg4[%mul3A_2, %dma_wait3A_47] : memref<819200x128xf32, #tpu.memory_space<hbm>> -> memref<128x128xf32, #tpu.memory_space<hbm>>
    %dma_wait3A_49 = arith.constant 0 : i32
    %dma_wait3A_50 = tpu.memref_slice %arg4[%mul3A_2, %dma_wait3A_49] : memref<819200x128xf32, #tpu.memory_space<hbm>> -> memref<128x128xf32, #tpu.memory_space<hbm>>
    %dma_wait3A_51 = arith.constant 0 : i32
    %dma_wait3A_52 = arith.constant 0 : i32
    %dma_wait3A_53 = tpu.memref_slice %arg6[%dma_wait3A, %dma_wait3A_51, %dma_wait3A_52] : memref<4x128x128xf32, #tpu.memory_space<vmem>> -> memref<1x128x128xf32, #tpu.memory_space<vmem>>
    %dma_wait3A_54 = tpu.memref_squeeze %dma_wait3A_53 : memref<1x128x128xf32, #tpu.memory_space<vmem>> -> memref<128x128xf32, #tpu.memory_space<vmem>>
    tpu.wait_dma2 semaphore(%arg11 : memref<!tpu.dma_semaphore, #tpu.memory_space<semaphore_mem>>) src(%dma_wait3A_54 : memref<128x128xf32, #tpu.memory_space<vmem>>) dst(%dma_wait3A_50 : memref<128x128xf32, #tpu.memory_space<hbm>>)
    %dma_wait3A_55 = arith.constant 1 : i32
    %dma_wait3A_56 = arith.constant 0 : i32
    %dma_wait3A_57 = arith.constant 0 : i32
    %dma_wait3A_58 = tpu.memref_slice %arg6[%dma_wait3A_55, %dma_wait3A_56, %dma_wait3A_57] : memref<4x128x128xf32, #tpu.memory_space<vmem>> -> memref<1x128x128xf32, #tpu.memory_space<vmem>>
    %dma_wait3A_59 = tpu.memref_squeeze %dma_wait3A_58 : memref<1x128x128xf32, #tpu.memory_space<vmem>> -> memref<128x128xf32, #tpu.memory_space<vmem>>
    %dma_wait3A_60 = arith.constant 0 : i32
    %dma_wait3A_61 = tpu.memref_slice %arg4[%mul3A_2, %dma_wait3A_60] : memref<819200x128xf32, #tpu.memory_space<hbm>> -> memref<128x128xf32, #tpu.memory_space<hbm>>
    %dma_wait3A_62 = arith.constant 0 : i32
    %dma_wait3A_63 = tpu.memref_slice %arg4[%mul3A_2, %dma_wait3A_62] : memref<819200x128xf32, #tpu.memory_space<hbm>> -> memref<128x128xf32, #tpu.memory_space<hbm>>
    %dma_wait3A_64 = arith.constant 0 : i32
    %dma_wait3A_65 = arith.constant 0 : i32
    %dma_wait3A_66 = tpu.memref_slice %arg6[%dma_wait3A_55, %dma_wait3A_64, %dma_wait3A_65] : memref<4x128x128xf32, #tpu.memory_space<vmem>> -> memref<1x128x128xf32, #tpu.memory_space<vmem>>
    %dma_wait3A_67 = tpu.memref_squeeze %dma_wait3A_66 : memref<1x128x128xf32, #tpu.memory_space<vmem>> -> memref<128x128xf32, #tpu.memory_space<vmem>>
    tpu.wait_dma2 semaphore(%arg12 : memref<!tpu.dma_semaphore, #tpu.memory_space<semaphore_mem>>) src(%dma_wait3A_67 : memref<128x128xf32, #tpu.memory_space<vmem>>) dst(%dma_wait3A_63 : memref<128x128xf32, #tpu.memory_space<hbm>>)
    %dma_wait3A_68 = arith.constant 2 : i32
    %dma_wait3A_69 = arith.constant 0 : i32
    %dma_wait3A_70 = arith.constant 0 : i32
    %dma_wait3A_71 = tpu.memref_slice %arg6[%dma_wait3A_68, %dma_wait3A_69, %dma_wait3A_70] : memref<4x128x128xf32, #tpu.memory_space<vmem>> -> memref<1x128x128xf32, #tpu.memory_space<vmem>>
    %dma_wait3A_72 = tpu.memref_squeeze %dma_wait3A_71 : memref<1x128x128xf32, #tpu.memory_space<vmem>> -> memref<128x128xf32, #tpu.memory_space<vmem>>
    %dma_wait3A_73 = arith.constant 0 : i32
    %dma_wait3A_74 = tpu.memref_slice %arg4[%mul3A_2, %dma_wait3A_73] : memref<819200x128xf32, #tpu.memory_space<hbm>> -> memref<128x128xf32, #tpu.memory_space<hbm>>
    %dma_wait3A_75 = arith.constant 0 : i32
    %dma_wait3A_76 = tpu.memref_slice %arg4[%mul3A_2, %dma_wait3A_75] : memref<819200x128xf32, #tpu.memory_space<hbm>> -> memref<128x128xf32, #tpu.memory_space<hbm>>
    %dma_wait3A_77 = arith.constant 0 : i32
    %dma_wait3A_78 = arith.constant 0 : i32
    %dma_wait3A_79 = tpu.memref_slice %arg6[%dma_wait3A_68, %dma_wait3A_77, %dma_wait3A_78] : memref<4x128x128xf32, #tpu.memory_space<vmem>> -> memref<1x128x128xf32, #tpu.memory_space<vmem>>
    %dma_wait3A_80 = tpu.memref_squeeze %dma_wait3A_79 : memref<1x128x128xf32, #tpu.memory_space<vmem>> -> memref<128x128xf32, #tpu.memory_space<vmem>>
    tpu.wait_dma2 semaphore(%arg13 : memref<!tpu.dma_semaphore, #tpu.memory_space<semaphore_mem>>) src(%dma_wait3A_80 : memref<128x128xf32, #tpu.memory_space<vmem>>) dst(%dma_wait3A_76 : memref<128x128xf32, #tpu.memory_space<hbm>>)
    %dma_wait3A_81 = arith.constant 3 : i32
    %dma_wait3A_82 = arith.constant 0 : i32
    %dma_wait3A_83 = arith.constant 0 : i32
    %dma_wait3A_84 = tpu.memref_slice %arg6[%dma_wait3A_81, %dma_wait3A_82, %dma_wait3A_83] : memref<4x128x128xf32, #tpu.memory_space<vmem>> -> memref<1x128x128xf32, #tpu.memory_space<vmem>>
    %dma_wait3A_85 = tpu.memref_squeeze %dma_wait3A_84 : memref<1x128x128xf32, #tpu.memory_space<vmem>> -> memref<128x128xf32, #tpu.memory_space<vmem>>
    %dma_wait3A_86 = arith.constant 0 : i32
    %dma_wait3A_87 = tpu.memref_slice %arg4[%mul3A_2, %dma_wait3A_86] : memref<819200x128xf32, #tpu.memory_space<hbm>> -> memref<128x128xf32, #tpu.memory_space<hbm>>
    %dma_wait3A_88 = arith.constant 0 : i32
    %dma_wait3A_89 = tpu.memref_slice %arg4[%mul3A_2, %dma_wait3A_88] : memref<819200x128xf32, #tpu.memory_space<hbm>> -> memref<128x128xf32, #tpu.memory_space<hbm>>
    %dma_wait3A_90 = arith.constant 0 : i32
    %dma_wait3A_91 = arith.constant 0 : i32
    %dma_wait3A_92 = tpu.memref_slice %arg6[%dma_wait3A_81, %dma_wait3A_90, %dma_wait3A_91] : memref<4x128x128xf32, #tpu.memory_space<vmem>> -> memref<1x128x128xf32, #tpu.memory_space<vmem>>
    %dma_wait3A_93 = tpu.memref_squeeze %dma_wait3A_92 : memref<1x128x128xf32, #tpu.memory_space<vmem>> -> memref<128x128xf32, #tpu.memory_space<vmem>>
    tpu.wait_dma2 semaphore(%arg14 : memref<!tpu.dma_semaphore, #tpu.memory_space<semaphore_mem>>) src(%dma_wait3A_93 : memref<128x128xf32, #tpu.memory_space<vmem>>) dst(%dma_wait3A_89 : memref<128x128xf32, #tpu.memory_space<hbm>>)
    return
  }
}

module attributes {stable_mosaic.version = 14 : i64} {
  func.func @_expand_body(%arg0: i32, %arg1: memref<256x64xf32, #tpu.memory_space<vmem>>, %arg2: memref<64x64xf32, #tpu.memory_space<vmem>>, %arg3: memref<1x64xf32, #tpu.memory_space<vmem>>, %arg4: memref<100x256x128xf32, #tpu.memory_space<vmem>>) attributes {dimension_semantics = [#tpu.dimension_semantics<arbitrary>], iteration_bounds = array<i64: 2>, scalar_prefetch = 0 : i64, scratch_operands = 0 : i64, tpu.core_type = #tpu.core_type<tc>, window_params = [{pipeline_mode = #tpu.pipeline_mode<synchronous>, transform_indices = @transform_0, window_bounds = array<i64: 256, 64>}, {pipeline_mode = #tpu.pipeline_mode<synchronous>, transform_indices = @transform_1, window_bounds = array<i64: 64, 64>}, {pipeline_mode = #tpu.pipeline_mode<synchronous>, transform_indices = @transform_2, window_bounds = array<i64: 1, 64>}, {transform_indices = @transform_3, window_bounds = array<i64: 100, 256, 128>}]} {
    %get3A = arith.constant 0 : index
    %get3A_0 = arith.constant 0 : index
    %get3A_1 = vector.load %arg1[%get3A, %get3A_0] : memref<256x64xf32, #tpu.memory_space<vmem>>, vector<256x64xf32>
    %get3A_2 = arith.constant 0 : index
    %get3A_3 = arith.constant 0 : index
    %get3A_4 = vector.load %arg2[%get3A_2, %get3A_3] : memref<64x64xf32, #tpu.memory_space<vmem>>, vector<64x64xf32>
    %dot_general3A = arith.constant dense<0.000000e+00> : vector<256x64xf32>
    %dot_general3A_5 = tpu.matmul %get3A_1, %get3A_4, %dot_general3A {dimension_numbers = #tpu.dot_dimension_numbers<[1], [1], [0], [0], [0, 0, 1, 0], [], []>, transpose_lhs_hint = false} : vector<256x64xf32>, vector<64x64xf32>, vector<256x64xf32> -> vector<256x64xf32>
    %get3A_6 = arith.constant 0 : index
    %get3A_7 = arith.constant 0 : index
    %get3A_8 = vector.load %arg3[%get3A_6, %get3A_7] : memref<1x64xf32, #tpu.memory_space<vmem>>, vector<1x64xf32>
    %add3A = vector.broadcast %get3A_8 : vector<1x64xf32> to vector<256x64xf32>
    %add3A_9 = arith.addf %dot_general3A_5, %add3A : vector<256x64xf32>
    %logistic3A = arith.negf %add3A_9 : vector<256x64xf32>
    %logistic3A_10 = math.exp %logistic3A : vector<256x64xf32>
    %logistic3A_11 = arith.constant 1.000000e+00 : f32
    %logistic3A_12 = vector.broadcast %logistic3A_11 : f32 to vector<256x64xf32>
    %logistic3A_13 = arith.addf %logistic3A_12, %logistic3A_10 : vector<256x64xf32>
    %logistic3A_14 = arith.divf %logistic3A_12, %logistic3A_13 : vector<256x64xf32>
    %mul3A = arith.mulf %get3A_1, %logistic3A_14 : vector<256x64xf32>
    %mul3A_15 = arith.constant 100 : i32
    %mul3A_16 = arith.muli %arg0, %mul3A_15 : i32
    %iota3A = tpu.iota {dimensions = array<i32: 0>} : vector<100x1x1xi32>
    %add3A_17 = vector.broadcast %mul3A_16 : i32 to vector<100x1x1xi32>
    %add3A_18 = arith.addi %add3A_17, %iota3A : vector<100x1x1xi32>
    %convert_element_type3A = arith.sitofp %add3A_18 : vector<100x1x1xi32> to vector<100x1x1xf32>
    %mul3A_19 = arith.constant 0.0122718466 : f32
    %mul3A_20 = vector.broadcast %mul3A_19 : f32 to vector<100x1x1xf32>
    %mul3A_21 = arith.mulf %mul3A_20, %convert_element_type3A : vector<100x1x1xf32>
    %broadcast_in_dim3A = vector.shape_cast %mul3A : vector<256x64xf32> to vector<1x256x64xf32>
    %cos3A = math.cos %mul3A_21 : vector<100x1x1xf32>
    %mul3A_22 = vector.broadcast %broadcast_in_dim3A : vector<1x256x64xf32> to vector<100x256x64xf32>
    %mul3A_23 = vector.broadcast %cos3A : vector<100x1x1xf32> to vector<100x256x64xf32>
    %mul3A_24 = arith.mulf %mul3A_22, %mul3A_23 : vector<100x256x64xf32>
    %swap3A = arith.constant 0 : index
    %swap3A_25 = arith.constant 0 : index
    %swap3A_26 = arith.constant 0 : index
    %swap3A_27 = vector.load %arg4[%swap3A, %swap3A_25, %swap3A_26] : memref<100x256x128xf32, #tpu.memory_space<vmem>>, vector<100x256x64xf32>
    tpu.vector_store %arg4[%swap3A, %swap3A_25, %swap3A_26], %mul3A_24 {strides = array<i32>} : memref<100x256x128xf32, #tpu.memory_space<vmem>>, vector<100x256x64xf32>,
    %broadcast_in_dim3A_28 = vector.shape_cast %mul3A : vector<256x64xf32> to vector<1x256x64xf32>
    %sin3A = math.sin %mul3A_21 : vector<100x1x1xf32>
    %mul3A_29 = vector.broadcast %broadcast_in_dim3A_28 : vector<1x256x64xf32> to vector<100x256x64xf32>
    %mul3A_30 = vector.broadcast %sin3A : vector<100x1x1xf32> to vector<100x256x64xf32>
    %mul3A_31 = arith.mulf %mul3A_29, %mul3A_30 : vector<100x256x64xf32>
    %swap3A_32 = arith.constant 0 : index
    %swap3A_33 = arith.constant 0 : index
    %swap3A_34 = arith.constant 64 : index
    %swap3A_35 = vector.load %arg4[%swap3A_32, %swap3A_33, %swap3A_34] : memref<100x256x128xf32, #tpu.memory_space<vmem>>, vector<100x256x64xf32>
    tpu.vector_store %arg4[%swap3A_32, %swap3A_33, %swap3A_34], %mul3A_31 {strides = array<i32>} : memref<100x256x128xf32, #tpu.memory_space<vmem>>, vector<100x256x64xf32>,
    return
  }
  func.func @transform_0(%arg0: i32) -> (i32, i32) {
    %c0_i32 = arith.constant 0 : i32
    %c0_i32_0 = arith.constant 0 : i32
    %c0_i32_1 = arith.constant 0 : i32
    return %c0_i32, %c0_i32_0 : i32, i32
  }
  func.func @transform_1(%arg0: i32) -> (i32, i32) {
    %c0_i32 = arith.constant 0 : i32
    %c0_i32_0 = arith.constant 0 : i32
    %c0_i32_1 = arith.constant 0 : i32
    return %c0_i32, %c0_i32_0 : i32, i32
  }
  func.func @transform_2(%arg0: i32) -> (i32, i32) {
    %c0_i32 = arith.constant 0 : i32
    %c0_i32_0 = arith.constant 0 : i32
    %c0_i32_1 = arith.constant 0 : i32
    return %c0_i32, %c0_i32_0 : i32, i32
  }
  func.func @transform_3(%arg0: i32) -> (i32, i32, i32) {
    %c0_i32 = arith.constant 0 : i32
    %c0_i32_0 = arith.constant 0 : i32
    %c0_i32_1 = arith.constant 0 : i32
    return %arg0, %c0_i32, %c0_i32_0 : i32, i32, i32
  }
}

</mosaic_0001>

<sc_bundles>
// kernel: kernel.4.cloned.1.call-start
scs
__scs_entry_jumppad:
0x0: {  	(pc) =	sbr.rel $0x88, $3  }
0x1: {  	(tag) =	ssettag $0x0;
	lr =	simm.s32 $0x1  }
0x2: {  	[smem:$0x3F9D] =	sst lr;
	_ =	strace $0xD0000000  }
0x3: {  	_ = 	snop  }
0x4: {  	_ = 	snop  }
0x5: {  	_ = 	snop  }
0x6: {  	_ = 	snop  }
0x7: {  	_ = 	snop  }
__scs_overlays_trampoline_lowered:
0x8: {  	[smem:$0x3FAC] =	sst s0  }
0x9: {  	[smem:$0x3FAD] =	sst s1  }
0xa: {  	[smem:$0x3FAE] =	sst s2  }
0xb: {  	[smem:$0x3FAF] =	sst s3  }
0xc: {  	[smem:$0x3FB0] =	sst s4  }
0xd: {  	[smem:$0x3FB1] =	sst s5  }
0xe: {  	[smem:$0x3FB2] =	sst s6  }
0xf: {  	[smem:$0x3FB3] =	sst s7  }
0x10: {  	[smem:$0x3FB4] =	sst s8  }
0x11: {  	[smem:$0x3FB5] =	sst s9;
	s0 =	simm.s32 @!p0 $0x0  }
0x12: {  	s1 =	sld [smem:$0x3F9B];
	s0 =	simm.s32 @p0 $0x1  }
0x13: {  	[smem:$0x3FB6] =	sst s0;
	s0 =	simm.s32 @!p1 $0x0  }
0x14: {  	s2 =	sld [smem:$0x3F9A];
	s0 =	simm.s32 @p1 $0x1  }
0x15: {  	[smem:$0x3FB7] =	sst s0;
	s0 =	simm.s32 @!p2 $0x0  }
0x16: {  	s3 =	sld [smem:$0x3FDB];
	s0 =	simm.s32 @p2 $0x1  }
0x17: {  	s4 =	simm.s32 $0x1BF5;
	[smem:$0x3FB9] =	sst s0  }
0x18: {  	s0 =	sld [smem:$0x3F9C];
	_ =	swait.ge [sflag:s4], $0x0  }
0x19: {  	s7 =	sld [smem:$0x3F9D]  }
0x1a: {  	s8 =	sadd.s32 $0xFFFFE003, lr  }
0x1b: {  	s9 =	sadd.s32 $0xFFFFFEF7, lr;
	s5 =	simm.s32 $0xFFFFFFFF;
	p2 =	slt.u32 s8, $0xFFFFF086  }
0x1c: {  	p1 =	slt.u32 s9, $0xF7A;
	s5 =	simm.s32 @!p2 $0x0  }
0x1d: {  	s5 =	simm.s32 @p1 $0x1;
	p0 =	seq.s32 s7, s2  }
0x1e: {  	s7 =	smul.u32 @!p0 $0xF7A, s2;
	p2 =	seq.s32 @!p0 s5, $0x0  }
0x1f: {  	s9 =	smul.u32 $0xF7A, s1;
	s8 =	simm.s32 @!p0 $0x1BF5;
	p2 =	por !p2, p0  }
0x20: {  	[sflag:s8] =	ssyncset.s32 @!p0 $0xFFFFF086;
	s6 =	sadd.s32 @!p0 s3, s7;
	s7 =	simm.s32 @!p0 $0x108  }
0x21: {  	s3 =	sadd.s32 s3, s9;
	s6 =	sadd.s32 @!p0 $0x88, s6;
	s7 =	simm.s32 @p2 $0x1082  }
0x22: {  	[simem:s7], [sflag:s8] =	dma.local @!p0 [hbm:s6], $0xF7A  }
0x23: {  	s9 =	sor.u32 $0xD0000000, s2;
	s6 =	simm.s32 $0x108;
	_ =	swait.ge @!p0 [sflag:s8], $0x0  }
0x24: {  	s3 =	sadd.s32 $0x88, s3;
	s6 =	simm.s32 @!p1 $0x1082;
	[sflag:s4] =	ssyncset.s32 $0xFFFFF086  }
0x25: {  	[simem:s6], [sflag:s4] =	dma.local [hbm:s3], $0xF7A  }
0x26: {  	[smem:$0x3F9D] =	sst s1;
	(tag) =	ssettag s2;
	_ =	strace s9  }
0x27: {  	s1 =	sld [smem:$0x3FAD]  }
0x28: {  	s2 =	sld [smem:$0x3FAE]  }
0x29: {  	s4 =	sld [smem:$0x3FB0]  }
0x2a: {  	p0 =	seq.s32 s5, $0x0;
	s5 =	sld [smem:$0x3FB1]  }
0x2b: {  	s6 =	sld [smem:$0x3FB2]  }
0x2c: {  	s7 =	sld [smem:$0x3FB3]  }
0x2d: {  	s3 =	simm.s32 $0x108;
	s8 =	sld [smem:$0x3FB4]  }
0x2e: {  	s3 =	simm.s32 @!p0 $0x1082;
	s9 =	sld [smem:$0x3FB5]  }
0x2f: {  	lr =	sadd.s32 s0, s3;
	s0 =	sld [smem:$0x3FAC]  }
0x30: {  	s3 =	sld [smem:$0x3FAF]  }
0x31: {  	[smem:$0x3FB8] =	sst s10  }
0x32: {  	s10 =	sld [smem:$0x3FB6];
	_ =	sdelay $0x3  }
0x33: {  	p0 =	seq.s32 s10, $0x1;
	s10 =	sld [smem:$0x3FB8];
	_ =	sdelay $0x3  }
0x34: {  	[smem:$0x3FB8] =	sst s10  }
0x35: {  	s10 =	sld [smem:$0x3FB7];
	_ =	sdelay $0x3  }
0x36: {  	p1 =	seq.s32 s10, $0x1;
	s10 =	sld [smem:$0x3FB8];
	_ =	sdelay $0x3  }
0x37: {  	[smem:$0x3FB8] =	sst s10  }
0x38: {  	s10 =	sld [smem:$0x3FB9]  }
0x39: {  	_ = 	snop;
	(pc) =	sbr.ind lr, $3  }
0x3a: {  	_ = 	snop  }
0x3b: {  	_ = 	snop  }
0x3c: {  	p2 =	seq.s32 s10, $0x1;
	s10 =	sld [smem:$0x3FB8]  }
0x3d: {  	_ =	shalt  }
0x3e: {  	_ =	shalt  }
0x3f: {  	_ =	shalt  }
0x40: {  	_ =	shalt  }
0x41: {  	_ =	shalt  }
0x42: {  	_ =	shalt  }
0x43: {  	_ =	shalt  }
0x44: {  	_ =	shalt  }
0x45: {  	_ =	shalt  }
0x46: {  	_ =	shalt  }
0x47: {  	_ =	shalt  }
0x48: {  	_ =	shalt  }
0x49: {  	_ =	shalt  }
0x4a: {  	_ =	shalt  }
0x4b: {  	_ =	shalt  }
0x4c: {  	_ =	shalt  }
0x4d: {  	_ =	shalt  }
0x4e: {  	_ =	shalt  }
0x4f: {  	_ =	shalt  }
0x50: {  	_ =	shalt  }
0x51: {  	_ =	shalt  }
0x52: {  	_ =	shalt  }
0x53: {  	_ =	shalt  }
0x54: {  	_ =	shalt  }
0x55: {  	_ =	shalt  }
0x56: {  	_ =	shalt  }
0x57: {  	_ =	shalt  }
0x58: {  	_ =	shalt  }
0x59: {  	_ =	shalt  }
0x5a: {  	_ =	shalt  }
0x5b: {  	_ =	shalt  }
0x5c: {  	_ =	shalt  }
0x5d: {  	_ =	shalt  }
0x5e: {  	_ =	shalt  }
0x5f: {  	_ =	shalt  }
0x60: {  	_ =	shalt  }
0x61: {  	_ =	shalt  }
0x62: {  	_ =	shalt  }
0x63: {  	_ =	shalt  }
0x64: {  	_ =	shalt  }
0x65: {  	_ =	shalt  }
0x66: {  	_ =	shalt  }
0x67: {  	_ =	shalt  }
0x68: {  	_ =	shalt  }
0x69: {  	_ =	shalt  }
0x6a: {  	_ =	shalt  }
0x6b: {  	_ =	shalt  }
0x6c: {  	_ =	shalt  }
0x6d: {  	_ =	shalt  }
0x6e: {  	_ =	shalt  }
0x6f: {  	_ =	shalt  }
0x70: {  	_ =	shalt  }
0x71: {  	_ =	shalt  }
0x72: {  	_ =	shalt  }
0x73: {  	_ =	shalt  }
0x74: {  	_ =	shalt  }
0x75: {  	_ =	shalt  }
0x76: {  	_ =	shalt  }
0x77: {  	_ =	shalt  }
0x78: {  	_ =	shalt  }
0x79: {  	_ =	shalt  }
0x7a: {  	_ =	shalt  }
0x7b: {  	_ =	shalt  }
0x7c: {  	_ =	shalt  }
0x7d: {  	_ =	shalt  }
0x7e: {  	_ =	shalt  }
0x7f: {  	_ =	shalt  }
0x80: {  	_ =	shalt  }
0x81: {  	_ =	shalt  }
0x82: {  	_ =	shalt  }
0x83: {  	_ =	shalt  }
0x84: {  	_ =	shalt  }
0x85: {  	_ =	shalt  }
0x86: {  	_ =	shalt  }
0x87: {  	_ =	shalt  }
.Lfunc_end0:
.L_simem_size_0:
called_computation_lowered:
.L_overlay_start_0:
0x88: {  	s2 =	sld [smem:$0x3FD9]  }
0x89: {  	s3 =	sld [smem:$0x3FFE];
	_ =	sdelay $0x1  }
0x8a: {  	s1 =	srdreg.scid  }
0x8b: {  	s0 =	sand.u32 $0x1, s1  }
0x8c: {  	s17 =	sshll.u32 s0, $0xA;
	s2 =	sadd.s32 s3, s2  }
0x8d: {  	s2 =	sadd.s32 s2, s17  }
0x8e: {  	[smem:$0x3FC4] =	sst s2  }
0x8f: {  	_ = 	snop  }
0x90: {  	s2 =	sld [smem:$0x3FD0];
	(tm) =	ssettm $0x1  }
0x91: {  	s18 =	sld [smem:$0x3FFB];
	_ =	sdelay $0x3  }
0x92: {  	_ =	strace s18  }
0x93: {  	s3 =	sld [smem:$0x3FFC];
	_ =	sdelay $0x3  }
0x94: {  	_ =	strace s3  }
0x95: {  	s3 =	sld [smem:$0x3FFD];
	_ =	sdelay $0x3  }
0x96: {  	_ =	strace s3  }
0x97: {  	_ =	strace $0x8FFFFFFF  }
0x98: {  	s19 =	sld [smem:$0x3FDB];
	_ =	sdelay $0x1  }
0x99: {  	s4 =	simm.s32 $_scs_section_size  }
0x9a: {  	s5 =	simm.s32 $_size__tile_overlayer_lowered;
	s6 =	simm.s32 $_tile_overlayer_lowered  }
0x9b: {  	s22 =	simm.s32 $0x1BFF;
	s21 =	sshll.u32 s6, $0x1;
	s3 =	sadd.s32 s4, s19  }
0x9c: {  	s7 =	simm.s32 $0x0;
	s20 =	sshll.u32 s5, $0x1;
	s5 =	sadd.s32 s21, s3  }
0x9d: {  	[timem:s7], [sflag:s22] =	dma.local [hbm:s5], s20  }
0x9e: {  	_ =	swait.ge [sflag:s22], s20  }
0x9f: {  	s4 =	ssub.s32 $0x0, s20;
	[sflag:s22] =	ssyncset.done $0x0  }
0xa0: {  	[sflag:s22] =	ssyncadd.s32 s4;
	_ =	sdelay $0x1  }
0xa1: {  	s23 =	simm.s32 $0x1B8B  }
0xa2: {  	_ =	swait.ge [sflag:s23], $0x1  }
0xa3: {  	[sflag:s23] =	ssyncset.done $0x0  }
0xa4: {  	s25 =	simm.s32 $0x1B8E;
	s24 =	sld [smem:$0x3FFE];
	[sflag:s23] =	ssyncadd.s32 $0xFFFFFFFF  }
0xa5: {  	s26 =	simm.s32 $execute0_lowered;
	[smem:$0x3FD2] =	sst s25  }
0xa6: {  	s5 =	sshll.u32 s26, $0x1;
	_ =	strace $0x80000046;
	[dreg:$0x1] =	wrdreg $0xFFFFFFFF  }
0xa7: {  	s28 =	simm.s32 $_size_execute0_lowered;
	s3 =	sadd.s32 s3, s5;
	[dreg:$0x0] =	wrdreg $0x0  }
0xa8: {  	s5 =	sshll.u32 s28, $0x1;
	[dreg:$0x2] =	wrdreg s3  }
0xa9: {  	[dreg:$0x3] =	wrdreg s5  }
0xaa: {  	[dreg:$0x4] =	wrdreg $0xC0  }
0xab: {  	_ =	task [dreg:s7], $0x5FFFF  }
0xac: {  	[dreg:$0x1] =	wrdreg $0xFFFFFFFF  }
0xad: {  	[dreg:$0x0] =	wrdreg $0x60  }
0xae: {  	[dreg:$0x2] =	wrdreg s24  }
0xaf: {  	[dreg:$0x3] =	wrdreg s2  }
0xb0: {  	[dreg:$0x4] =	wrdreg $0x9  }
0xb1: {  	_ =	task.clear_ibuf [dreg:s7], $0x5FFFF;
	_ =	strace $0x90000046  }
0xb2: {  	s29 =	simm.s32 $0x9;
	_ =	strace $0x80000048  }
0xb3: {  	_ =	swait.ge [sflag:s29], $0x1  }
0xb4: {  	[sflag:s29] =	ssyncadd.s32 $0xFFFFFFFF  }
0xb5: {  	_ =	strace $0x90000048  }
0xb6: {  	_ =	sfence  }
0xb7: {  	s30 =	sld [smem:$0x0];
	_ =	sdelay $0x2  }
0xb8: {  	s31 =	sshll.u32 s1, $0xD;
	s1 =	sshrl.u32 s1, $0x2  }
0xb9: {  	s3 =	sand.u32 $0x4000, s31;
	s1 =	sadd.s32 s1, s30  }
0xba: {  	s0 =	sor.u32 s3, s0;
	s1 =	sshll.u32 s1, $0x11  }
0xbb: {  	s0 =	sor.u32 s1, s0  }
0xbc: {  	s0 =	sadd.s32 $0x8F2B, s0  }
0xbd: {  	[sflag:s0] =	ssyncadd.remote.s32 $0x1  }
0xbe: {  	_ =	sfence.sel $0xFFFF  }
0xbf: {  	[dreg:$0x0] =	wrdreg $0xFFFFFFFF;
	(pc) =	sbr.abs _section_cstart, $3  }
0xc0: {  	[dreg:$0x1] =	wrdreg $0xFFFFFFFF  }
0xc1: {  	_ =	task.clear_ibuf [dreg:s7], $0x2FFFF;
	_ =	strace $0x9FFFFFFF  }
0xc2: {  	(tm) =	ssettm $0x7FFFFFFF  }
0xc3: {  	_ =	shalt  }
tec
execute0_lowered:
.L_overlay_start_1:
0x0: {  	(tag) =	ssettag $0x1  }
0x1: {  	s0 =	srdreg.scid;
	s1 =	rddreg [dreg:$0x0]  }
0x2: {  	s10 =	stileid.u32;
	s8 =	rddreg [dreg:$0x1]  }
0x3: {  	s13 =	simm.s32 $0x80;
	s14 =	simm.s32 $0x6400;
	s15 =	simm.s32 $0xA400  }
0x4: {  	s17 =	simm.s32 $0xE400;
	s18 =	simm.s32 $0x1;
	s19 =	simm.s32 $0x12400  }
0x5: {  	s20 =	simm.s32 $0x2;
	s21 =	simm.s32 $0x4;
	s7 =	smul.u32 $0x640000, s10  }
0x6: {  	s0 =	sand.u32 $0x1, s0;
	s2 =	sshll.u32 s10, $0x1;
	s10 =	smul.u32 $0xC800, s10  }
0x7: {  	s22 =	simm.s32 $0x5;
	s3 =	sor.u32 s0, s2;
	s9 =	smul.u32 $0x320000, s0  }
0x8: {  	s2 =	simm.s32 $0x0;
	s6 =	ssub.s32 $0x2, s0;
	s0 =	smul.u32 $0x6400, s0  }
0x9: {  	s23 =	simm.s32 $0x6;
	s4 =	smul.u32 $0x6400, s3;
	[smem:$0x7FF] =	sst s2  }
0xa: {  	s5 =	smul.u32 $0x320000, s3;
	s3 =	sadd.s32 $0x19800, s1;
	s24 =	sshrl.u32 s6, $0x1  }
0xb: {  	_ =	strace $0x80000047;
	s9 =	sadd.s32 s9, s7;
	s7 =	sadd.s32 s0, s10  }
0xc: {  	s4 =	sshrl.u32 s4, $0x3;
	s25 =	sshrl.u32 s5, $0x3;
	s11 =	sor.u32 $0x8000, s9  }
0xd: {  	s29 =	sor.u32 $0x4000, s9;
	s30 =	sor.u32 $0xC000, s9;
	s31 =	sshrl.u32 s9, $0x3  }
0xe: {  	s4 =	sadd.s32 s4, s1;
	s1 =	ssub.s32 s6, s24;
	s26 =	sadd.s32 s8, s25  }
0xf: {  	s28 =	sshrl.u32 s11, $0x3;
	s12 =	sshrl.u32 s30, $0x3;
	s10 =	sadd.s32 s31, s8  }
.Ltmp0:
0x10: {  	s24 =	simm.s32 $0x7;
	s25 =	simm.s32 $0x8;
	(pc) =	sbr.rel .LBB2_1-.Ltmp0, $4  }
0x11: {  	s4 =	sadd.s32 $0x800, s4;
	s1 =	smax.u32 s1, $0x1;
	s6 =	sadd.s32 $0x63000, s26  }
0x12: {  	s0 =	sadd.s32 s28, s8;
	s11 =	sadd.s32 s12, s8;
	[dreg:$0x3] =	wrdreg s4  }
0x13: {  	s12 =	simm.s32 $0x9;
	[dreg:$0x5] =	wrdreg s0;
	s0 =	sshrl.u32 s29, $0x3  }
0x14: {  	v0 =	vlaneseq.u32;
	s26 =	simm.s32 $0x0;
	[dreg:$0x4] =	wrdreg s1;
	s9 =	sadd.s32 s0, s8  }
.LBB2_6:
0x15: {  	_ =	swait.ge [sflag:s22], $0x4000  }
0x16: {  	[sflag:s22] =	ssyncset.done $0x0  }
0x17: {  	[sflag:s22] =	ssyncadd.s32 $0xFFFFC000  }
0x18: {  	_ =	swait.ge [sflag:s23], $0x4000  }
0x19: {  	[sflag:s23] =	ssyncset.done $0x0  }
0x1a: {  	[sflag:s23] =	ssyncadd.s32 $0xFFFFC000  }
0x1b: {  	_ =	swait.ge [sflag:s24], $0x4000  }
0x1c: {  	[sflag:s24] =	ssyncset.done $0x0  }
0x1d: {  	[sflag:s24] =	ssyncadd.s32 $0xFFFFC000  }
0x1e: {  	_ =	swait.ge [sflag:s25], $0x4000  }
0x1f: {  	s26 =	sadd.s32 $0x1, s26;
	s0 =	rddreg [dreg:$0x4]  }
0x20: {  	p0 =	sne.s32 s26, s0  }
.Ltmp1:
0x21: {  	_ = 	snop;
	(pc) =	sbr.rel @!p0 .LBB2_7-.Ltmp1, $3  }
0x22: {  	_ =	sdelay $0x1  }
0x23: {  	[sflag:s25] =	ssyncset.done $0x0  }
0x24: {  	[sflag:s25] =	ssyncadd.s32 $0xFFFFC000  }
.LBB2_1:
0x25: {  	v1 =	vor.u32 s7, v0  }
0x26: {  	s0 =	rddreg [dreg:$0x3];
	v2 =	vmulhi.u32 $0x51EB851F, v1  }
0x27: {  	[tilespmem:s2], [sflag:$0x9] =	stream.linear.gather [hbm4b:s0+s2], $0x6400, $0x38;
	[tilespmem:$0x16400] =	vst v63  }
0x28: {  	_ =	swait.ge [sflag:s12], $0x6400;
	v2 =	vshrl.u32 v2, $0x6  }
0x29: {  	[sflag:s12] =	ssyncset.done $0x0;
	v2 =	vmul.u32 $0xC8, v2  }
0x2a: {  	s0 =	simm.s32 $0x0;
	[sflag:s12] =	ssyncadd.s32 $0xFFFF9C00  }
0x2b: {  	v3 =	vsub.s32 v1, v2;
	v2 =	vld [tilespmem:s0+$0x0];
	_ =	sdelay $0x2  }
0x2c: {  	s28 =	sadd.s32 $0x10, s7  }
0x2d: {  	s8 =	simm.s32 $0x40;
	s29 =	simm.s32 $0x80;
	v1 =	vor.u32 s28, v0;
	v3 =	vshll.u32 v3, $0x8  }
.LBB2_2:
0x2e: {  	p0 =	sne.s32 s29, $0x18FC0;
	v4 =	vmulhi.u32 $0x51EB851F, v1;
	v2 =	vadd.s32 v3, v2  }
0x2f: {  	[tilespmem:s0+$0x0] =	vst v2;
	s0 =	sshra.s32 s8, $0x2;
	s8 =	smov.u32 s29  }
.Ltmp2:
0x30: {  	v2 =	vld [tilespmem:s0+$0x0];
	v3 =	vshrl.u32 v4, $0x6;
	(pc) =	sbr.rel @p0 .LBB2_2-.Ltmp2, $3  }
0x31: {  	v3 =	vmul.u32 $0xC8, v3;
	_ =	sdelay $0x1  }
0x32: {  	s28 =	sadd.s32 $0x10, s28;
	v3 =	vsub.s32 v1, v3  }
0x33: {  	s29 =	sadd.s32 $0x40, s29;
	v1 =	vor.u32 s28, v0;
	v3 =	vshll.u32 v3, $0x8  }
0x34: {  	v4 =	vmulhi.u32 $0x51EB851F, v1;
	v2 =	vadd.s32 v3, v2  }
0x35: {  	s8 =	sshra.s32 s8, $0x2;
	[tilespmem:s0+$0x0] =	vst v2  }
0x36: {  	v2 =	vld [tilespmem:s8+$0x0];
	v3 =	vshrl.u32 v4, $0x6  }
0x37: {  	v3 =	vmul.u32 $0xC8, v3;
	_ =	sdelay $0x1  }
0x38: {  	v1 =	vsub.s32 v1, v3  }
0x39: {  	v1 =	vshll.u32 v1, $0x8  }
0x3a: {  	v1 =	vadd.s32 v1, v2  }
0x3b: {  	s28 =	simm.s32 $0x0;
	[tilespmem:s8+$0x0] =	vst v1  }
0x3c: {  	[tilespmem:s14], [sflag:$0x1] =	stream.indirect.gather [hbm4b:s3+s13], $0x80, s28, s13, $0xb8;
	[tilespmem:$0x16400] =	vst v63  }
0x3d: {  	s16 =	simm.s32 $0x100;
	s29 =	smov.u32 s11  }
0x3e: {  	[tilespmem:s15], [sflag:$0x2] =	stream.indirect.gather [hbm4b:s3+s13], $0x80, s13, s13, $0xb8;
	[tilespmem:$0x16400] =	vst v63  }
0x3f: {  	s30 =	smov.u32 s10;
	s31 =	smov.u32 s9;
	s8 =	rddreg [dreg:$0x5]  }
0x40: {  	[tilespmem:s17], [sflag:$0x3] =	stream.indirect.gather [hbm4b:s3+s13], $0x80, s16, s13, $0xb8;
	[tilespmem:$0x16400] =	vst v63  }
.LBB2_4:
0x41: {  	_ =	swait.ge [sflag:s18], $0x4000  }
0x42: {  	p0 =	seq.s32 s28, $0x0;
	[sflag:s18] =	ssyncset.done $0x0  }
0x43: {  	s16 =	simm.s32 @!p0 $0x8;
	[sflag:s18] =	ssyncadd.s32 $0xFFFFC000  }
0x44: {  	[hbm4b:s30+s2] =	stream.linear.scatter [tilespmem:s14], [sflag:$0x5], $0x4000, $0x38;
	[tilespmem:$0x16400] =	vst v63  }
0x45: {  	_ =	swait.ge @!p0 [sflag:s16], $0x4000  }
0x46: {  	s0 =	sshra.s32 s28, $0x2;
	[sflag:s16] =	ssyncset.done @!p0 $0x0  }
0x47: {  	s5 =	sadd.s32 $0x180, s0;
	[sflag:s16] =	ssyncadd.s32 @!p0 $0xFFFFC000  }
0x48: {  	[tilespmem:s19], [sflag:$0x4] =	stream.indirect.gather [hbm4b:s3+s13], $0x80, s5, s13, $0xb8;
	[tilespmem:$0x16400] =	vst v63  }
0x49: {  	_ =	swait.ge [sflag:s20], $0x4000  }
0x4a: {  	p0 =	seq.s32 s28, $0x18800;
	[sflag:s20] =	ssyncset.done $0x0  }
0x4b: {  	s16 =	simm.s32 @p0 $0x3;
	[sflag:s20] =	ssyncadd.s32 $0xFFFFC000  }
0x4c: {  	[hbm4b:s31+s2] =	stream.linear.scatter [tilespmem:s15], [sflag:$0x6], $0x4000, $0x38;
	[tilespmem:$0x16400] =	vst v63  }
0x4d: {  	_ =	swait.ge @p0 [sflag:s16], $0x4000  }
0x4e: {  	[sflag:s16] =	ssyncset.done @p0 $0x0  }
0x4f: {  	s4 =	simm.s32 @p0 $0xE400;
	[sflag:s16] =	ssyncadd.s32 @p0 $0xFFFFC000;
	s16 =	simm.s32 @p0 $0x0  }
0x50: {  	[hbm4b:s6+s16] =	stream.linear.scatter @p0 [tilespmem:s4], [sflag:$0x7], $0x4000, $0x38;
	[tilespmem:$0x16400] =	vst v63  }
0x51: {  	s4 =	simm.s32 @!p0 $0x5  }
0x52: {  	_ =	swait.ge @!p0 [sflag:s4], $0x4000  }
0x53: {  	[sflag:s4] =	ssyncset.done @!p0 $0x0  }
0x54: {  	[sflag:s4] =	ssyncadd.s32 @!p0 $0xFFFFC000;
	s4 =	sshra.s32 @!p0 s28, $0x2  }
0x55: {  	s5 =	simm.s32 @!p0 $0x80;
	s1 =	simm.s32 @!p0 $0x6400;
	s16 =	sadd.s32 @!p0 $0x200, s4  }
0x56: {  	[tilespmem:s1], [sflag:$0x1] =	stream.indirect.gather @!p0 [hbm4b:s3+s5], $0x80, s16, s5, $0xb8;
	[tilespmem:$0x16400] =	vst v63  }
0x57: {  	s1 =	simm.s32 @!p0 $0x3  }
0x58: {  	_ =	swait.ge @!p0 [sflag:s1], $0x4000  }
0x59: {  	[sflag:s1] =	ssyncset.done @!p0 $0x0  }
0x5a: {  	s16 =	simm.s32 @!p0 $0xE400;
	[sflag:s1] =	ssyncadd.s32 @!p0 $0xFFFFC000;
	s1 =	simm.s32 @!p0 $0x0  }
0x5b: {  	[hbm4b:s8+s1] =	stream.linear.scatter @!p0 [tilespmem:s16], [sflag:$0x7], $0x4000, $0x38;
	[tilespmem:$0x16400] =	vst v63  }
0x5c: {  	s1 =	simm.s32 @!p0 $0x6  }
0x5d: {  	_ =	swait.ge @!p0 [sflag:s1], $0x4000  }
0x5e: {  	[sflag:s1] =	ssyncset.done @!p0 $0x0  }
0x5f: {  	[sflag:s1] =	ssyncadd.s32 @!p0 $0xFFFFC000;
	s1 =	sadd.s32 @!p0 $0x280, s4;
	s4 =	simm.s32 @!p0 $0xA400  }
0x60: {  	[tilespmem:s4], [sflag:$0x2] =	stream.indirect.gather @!p0 [hbm4b:s3+s5], $0x80, s1, s5, $0xb8;
	[tilespmem:$0x16400] =	vst v63  }
.Ltmp3:
0x61: {  	_ = 	snop;
	(pc) =	sbr.rel @p0 .LBB2_6-.Ltmp3, $4  }
0x62: {  	_ =	swait.ge [sflag:s21], $0x4000  }
0x63: {  	[sflag:s21] =	ssyncset.done $0x0  }
0x64: {  	[sflag:s21] =	ssyncadd.s32 $0xFFFFC000  }
0x65: {  	[hbm4b:s29+s2] =	stream.linear.scatter [tilespmem:s19], [sflag:$0x8], $0x4000, $0x38;
	[tilespmem:$0x16400] =	vst v63  }
.Ltmp4:
0x66: {  	(pc) =	sbr.rel .LBB2_4-.Ltmp4, $4  }
0x67: {  	_ =	swait.ge [sflag:s24], $0x4000;
	s0 =	sadd.s32 $0x300, s0;
	s28 =	sadd.s32 $0x800, s28  }
0x68: {  	s8 =	sadd.s32 $0x2000, s8;
	s31 =	sadd.s32 $0x2000, s31;
	[sflag:s24] =	ssyncset.done $0x0  }
0x69: {  	s30 =	sadd.s32 $0x2000, s30;
	s29 =	sadd.s32 $0x2000, s29;
	[sflag:s24] =	ssyncadd.s32 $0xFFFFC000  }
0x6a: {  	[tilespmem:s17], [sflag:$0x3] =	stream.indirect.gather [hbm4b:s3+s13], $0x80, s0, s13, $0xb8;
	[tilespmem:$0x16400] =	vst v63  }
.LBB2_7:
0x6b: {  	_ =	sfence.sel $0x180000  }
0x6c: {  	[bflag:$0x0] =	sbarrier.arrive $0xFFFF  }
0x6d: {  	_ =	strace $0x90000047  }
0x6e: {  	s0 =	stileid.u32;
	[bflag:$0x2] =	sbarrier.arrive $0xFFFF  }
0x6f: {  	p0 =	sne.s32 s0, $0x0;
	s0 =	rddreg [dreg:$0x2]  }
0x70: {  	s0 =	sadd.s32 @!p0 $0x100000, s0  }
0x71: {  	[sflag:s0] =	ssyncadd.tile.s32 @!p0 $0x1;
	_ =	shalt  }
.Lfunc_end2:
_tile_overlayer_lowered:
.L_overlay_start_2:
0x72: {  	(tag) =	ssettag $0x2  }
0x73: {  	s0 =	rddreg [dreg:$0x0];
	s2 =	stileid.u32  }
0x74: {  	s1 =	rddreg [dreg:$0x1];
	p0 =	sne.s32 s2, $0x0  }
0x75: {  	s3 =	rddreg [dreg:$0x2];
	[bflag:$0x3] =	sbarrier.arrive $0xFFFF;
	s2 =	simm.s32 @!p0 $0x1C09  }
0x76: {  	[timem:s3], [sflag:s2] =	dma.local @!p0 [hbm:s0], s1  }
0x77: {  	s0 =	simm.s32 @!p0 $0x9  }
0x78: {  	_ =	swait.ge @!p0 [sflag:s0], s1  }
0x79: {  	s1 =	ssub.s32 @!p0 $0x0, s1;
	[sflag:s0] =	ssyncset.done @!p0 $0x0  }
0x7a: {  	[sflag:s0] =	ssyncadd.s32 @!p0 s1  }
0x7b: {  	[bflag:$0x3] =	sbarrier.arrive $0xFFFF  }
0x7c: {  	_ =	shalt  }

</sc_bundles>
